<compile_context>
chip_gen: v7x
topology: tpu7x:2x2x1
jax: 0.10.2.dev20260603
libtpu: 0.0.44.dev20260713+nightly
codegen_flags: <defaults>
</compile_context>

<pallas_src>
import functools

import jax
import jax.numpy as jnp
from jax import lax
from jax.experimental import pallas as pl
from jax.experimental.pallas import tpu as pltpu
from jax.experimental.pallas import tpu_sc as plsc


RATIO = 0.5

_NP = 10240
_NW = 32
_NPW = 320
_D = 256
_BI = 256


def _rank_kernel(score_col_ref, score_row_ref, rank_ref):
    i0 = pl.program_id(0) * _BI
    si = score_col_ref[...]
    sj = score_row_ref[0:1, :]
    gt = sj > si
    eq = sj == si
    jj = lax.broadcasted_iota(jnp.int32, (_BI, _NP), 1)
    ii = i0 + lax.broadcasted_iota(jnp.int32, (_BI, _NP), 0)
    wins = gt | (eq & (jj < ii))
    cnt = jnp.sum(jnp.where(wins, 1.0, 0.0), axis=1, keepdims=True)
    rank_ref[...] = cnt.astype(jnp.int32)


_BS = 512


def _score_kernel(agg_ref, x_ref, wl_ref, wr_ref, b_ref, score_ref, xs_ref):
    i0 = pl.program_id(0) * _BS
    a = agg_ref[...]
    xx = x_ref[...]
    wl = wl_ref[...]
    wr = wr_ref[...]
    bb = b_ref[0:1, 0:1]
    d1 = jnp.dot(a, wl, preferred_element_type=jnp.float32)
    d2 = jnp.dot(xx, wr, preferred_element_type=jnp.float32)
    s = jnp.tanh((d1 + bb) + d2)
    rid = i0 + lax.broadcasted_iota(jnp.int32, (_BS, 1), 0)
    s = jnp.where(rid < 10000, s, -2.0)
    score_ref[...] = s
    xs_ref[...] = xx * s


def _score_xs(agg_pad, x_pad, wl_t, wr_t, b8):
    return pl.pallas_call(
        _score_kernel,
        grid=(_NP // _BS,),
        in_specs=[
            pl.BlockSpec((_BS, _D), lambda i: (i, 0)),
            pl.BlockSpec((_BS, _D), lambda i: (i, 0)),
            pl.BlockSpec((_D, 1), lambda i: (0, 0)),
            pl.BlockSpec((_D, 1), lambda i: (0, 0)),
            pl.BlockSpec((8, 128), lambda i: (0, 0)),
        ],
        out_specs=[
            pl.BlockSpec((_BS, 1), lambda i: (i, 0)),
            pl.BlockSpec((_BS, _D), lambda i: (i, 0)),
        ],
        out_shape=[
            jax.ShapeDtypeStruct((_NP, 1), jnp.float32),
            jax.ShapeDtypeStruct((_NP, _D), jnp.float32),
        ],
    )(agg_pad, x_pad, wl_t, wr_t, b8)


def _scatter_body(rank_hbm, xs_hbm, out_hbm, idx_v, xr_v, sem):
    wid = lax.axis_index("s") * 2 + lax.axis_index("c")
    pltpu.sync_copy(rank_hbm.at[wid], idx_v)
    pltpu.sync_copy(xs_hbm.at[pl.ds(wid * _NPW, _NPW), :], xr_v)
    pltpu.async_copy(xr_v, out_hbm.at[idx_v], sem).wait()


_scatter_out = functools.partial(
    pl.kernel,
    mesh=plsc.VectorSubcoreMesh(core_axis_name="c", subcore_axis_name="s"),
    out_type=jax.ShapeDtypeStruct((_NP, _D), jnp.float32),
    scratch_types=[
        pltpu.VMEM((_NPW,), jnp.int32),
        pltpu.VMEM((_NPW, _D), jnp.float32),
        pltpu.SemaphoreType.DMA,
    ],
)(_scatter_body)


def _topk_gather(score_col, xs, k):
    score_row = jnp.broadcast_to(score_col.reshape(1, _NP), (8, _NP))

    rank = pl.pallas_call(
        _rank_kernel,
        grid=(_NP // _BI,),
        in_specs=[
            pl.BlockSpec((_BI, 1), lambda i: (i, 0)),
            pl.BlockSpec((8, _NP), lambda i: (0, 0)),
        ],
        out_specs=pl.BlockSpec((_BI, 1), lambda i: (i, 0)),
        out_shape=jax.ShapeDtypeStruct((_NP, 1), jnp.int32),
    )(score_col, score_row)

    out = _scatter_out(rank.reshape(_NW, _NPW), xs)
    return out[:k]


def kernel(x, edge_index, batch, W_l, b_l, W_r):
    n = x.shape[0]
    row, col = edge_index[0], edge_index[1]

    agg = jnp.zeros_like(x).at[col].add(x[row])

    b8 = jnp.broadcast_to(b_l.reshape(1, 1), (8, 128))
    score_col, xs = _score_xs(agg, x, W_l.reshape(_D, 1),
                              W_r.reshape(_D, 1), b8)

    k = (n + 1) // 2
    x_out = _topk_gather(score_col, xs, k)
    batch_out = jnp.zeros((k,), jnp.int32)
    return (x_out, batch_out)

# --- scband reference (transcript-rebuilt; emitter-appended) ---
"""Pipeline reference for scband-sagpooling-54778012893228 (READ-ONLY COPY).

The authoritative reference and input builder live on the scoring server;
editing this copy changes nothing except your own understanding.
"""

import jax, jax.numpy as jnp
import numpy as np

RATIO = 0.5
MULTIPLIER = 1.0


def setup_inputs(seed: int = 0) -> dict:
    key = jax.random.key(seed)
    k1, k2, k3, k4 = jax.random.split(key, 4)
    N, E, D = 10000, 160000, 256
    x = jax.random.normal(k1, (N, D), dtype=jnp.float32)
    edge_index = jax.random.randint(k2, (2, E), 0, N, dtype=jnp.int32)
    batch = jnp.zeros((N,), dtype=jnp.int32)
    # GraphConv(in_channels=256, out_channels=1) params
    W_l = jax.random.normal(k3, (1, D), dtype=jnp.float32) * (1.0 / np.sqrt(D))
    b_l = jnp.zeros((1,), dtype=jnp.float32)
    W_r = jax.random.normal(k4, (1, D), dtype=jnp.float32) * (1.0 / np.sqrt(D))
    return {"x": x, "edge_index": edge_index, "batch": batch, "W_l": W_l, "b_l": b_l, "W_r": W_r}


def reference(x, edge_index, batch, W_l, b_l, W_r):
    N = x.shape[0]
    row, col = edge_index[0], edge_index[1]

    # GraphConv: propagate (edge_weight=1) -> scatter_add over dst, then linear
    agg = jnp.zeros_like(x).at[col].add(x[row])
    score = agg @ W_l.T + b_l + x @ W_r.T  # [N, 1]
    score = score.reshape(-1)

    # min_score is None -> nonlinearity (tanh)
    score = jnp.tanh(score)

    # topk(score, ratio, batch)
    num_segments = 1
    num_nodes = jax.ops.segment_sum(jnp.ones_like(batch), batch, num_segments=num_segments)
    batch_size = num_nodes.shape[0]
    max_num_nodes = N
    cum_num_nodes = jnp.concatenate([jnp.zeros((1,), dtype=num_nodes.dtype), jnp.cumsum(num_nodes)[:-1]])
    index = jnp.arange(N, dtype=jnp.int32) - cum_num_nodes[batch] + batch * max_num_nodes
    dense_x = jnp.full((batch_size * max_num_nodes,), jnp.finfo(score.dtype).min, dtype=score.dtype)
    dense_x = dense_x.at[index].set(score)
    dense_x = dense_x.reshape(batch_size, max_num_nodes)
    perm = jnp.argsort(-dense_x, axis=-1)  # descending sort
    perm = perm + cum_num_nodes.reshape(-1, 1)
    perm = perm.reshape(-1)
    K = int(np.ceil(RATIO * max_num_nodes))
    mask = np.concatenate([np.arange(K) + i * max_num_nodes for i in range(batch_size)])
    perm = perm[jnp.asarray(mask)]

    x_out = x[perm] * score[perm][:, None]
    if MULTIPLIER != 1:
        x_out = MULTIPLIER * x_out
    batch_out = batch[perm]

    # filter_adj (computed as in the original forward, though not returned)
    node_mask = jnp.full((N,), -1, dtype=jnp.int32)
    node_mask = node_mask.at[perm].set(jnp.arange(perm.shape[0], dtype=jnp.int32))
    r2, c2 = node_mask[row], node_mask[col]
    emask = (r2 >= 0) & (c2 >= 0)
    _ = jnp.stack([jnp.where(emask, r2, 0), jnp.where(emask, c2, 0)], axis=0)

    return (x_out, batch_out)

if __name__ == "__main__":
    import jax
    _d = setup_inputs()
    print(jax.jit(kernel)(*tuple(_d.values())))

</pallas_src>

<mosaic_0001>
#map = affine_map<(d0, d1) -> (0, 0)>
module attributes {stable_mosaic.version = 14 : i64} {
  func.func @_scatter_body(%arg0: i32, %arg1: i32, %arg2: memref<32x320xi32, #tpu.memory_space<hbm>>, %arg3: memref<10240x256xf32, #tpu.memory_space<hbm>>, %arg4: memref<10240x256xf32, #tpu.memory_space<hbm>>, %arg5: memref<320xi32, #tpu.memory_space<vmem>>, %arg6: memref<320x256xf32, #tpu.memory_space<vmem>>, %arg7: memref<!tpu.dma_semaphore, #tpu.memory_space<semaphore_mem>>) attributes {dimension_semantics = [#tpu.dimension_semantics<core_parallel>, #tpu.dimension_semantics<subcore_parallel>], iteration_bounds = array<i64: 2, 16>, scalar_prefetch = 0 : i64, scratch_operands = 3 : i64, tpu.core_type = #tpu.core_type<sc_vector_subcore>, window_params = [{transform_indices = #map}, {transform_indices = #map}, {transform_indices = #map}]} {
    %mul3A = arith.constant 2 : i32
    %mul3A_0 = arith.muli %arg1, %mul3A : i32
    %add3A = arith.addi %mul3A_0, %arg0 : i32
    "tpu.region"() ({
      %run_scoped3A = tpu.sem_alloc : memref<!tpu.dma_semaphore, #tpu.memory_space<semaphore_mem>>
      %dma_start3A_7 = arith.constant 0 : i32
      %dma_start3A_8 = tpu.memref_slice %arg2[%add3A, %dma_start3A_7] : memref<32x320xi32, #tpu.memory_space<hbm>> -> memref<1x320xi32, #tpu.memory_space<hbm>>
      %dma_start3A_9 = tpu.memref_squeeze %dma_start3A_8 : memref<1x320xi32, #tpu.memory_space<hbm>> -> memref<320xi32, #tpu.memory_space<hbm>>
      %dma_start3A_10 = arith.constant 0 : i32
      %dma_start3A_11 = tpu.memref_slice %arg2[%add3A, %dma_start3A_10] : memref<32x320xi32, #tpu.memory_space<hbm>> -> memref<1x320xi32, #tpu.memory_space<hbm>>
      %dma_start3A_12 = tpu.memref_squeeze %dma_start3A_11 : memref<1x320xi32, #tpu.memory_space<hbm>> -> memref<320xi32, #tpu.memory_space<hbm>>
      tpu.enqueue_dma source(%dma_start3A_12 : memref<320xi32, #tpu.memory_space<hbm>>) target(%arg5 : memref<320xi32, #tpu.memory_space<vmem>>) target_semaphore(%run_scoped3A : memref<!tpu.dma_semaphore, #tpu.memory_space<semaphore_mem>>)
      %dma_wait3A_13 = arith.constant 0 : i32
      %dma_wait3A_14 = tpu.memref_slice %arg2[%add3A, %dma_wait3A_13] : memref<32x320xi32, #tpu.memory_space<hbm>> -> memref<1x320xi32, #tpu.memory_space<hbm>>
      %dma_wait3A_15 = tpu.memref_squeeze %dma_wait3A_14 : memref<1x320xi32, #tpu.memory_space<hbm>> -> memref<320xi32, #tpu.memory_space<hbm>>
      %dma_wait3A_16 = arith.constant 0 : i32
      %dma_wait3A_17 = tpu.memref_slice %arg2[%add3A, %dma_wait3A_16] : memref<32x320xi32, #tpu.memory_space<hbm>> -> memref<1x320xi32, #tpu.memory_space<hbm>>
      %dma_wait3A_18 = tpu.memref_squeeze %dma_wait3A_17 : memref<1x320xi32, #tpu.memory_space<hbm>> -> memref<320xi32, #tpu.memory_space<hbm>>
      tpu.wait_dma2 semaphore(%run_scoped3A : memref<!tpu.dma_semaphore, #tpu.memory_space<semaphore_mem>>) src(%dma_wait3A_18 : memref<320xi32, #tpu.memory_space<hbm>>) dst(%arg5 : memref<320xi32, #tpu.memory_space<vmem>>)
      tpu.yield
    }) : () -> ()
    %mul3A_1 = arith.constant 320 : i32
    %mul3A_2 = arith.muli %add3A, %mul3A_1 : i32
    "tpu.region"() ({
      %run_scoped3A = tpu.sem_alloc : memref<!tpu.dma_semaphore, #tpu.memory_space<semaphore_mem>>
      %dma_start3A_7 = arith.constant 0 : i32
      %dma_start3A_8 = tpu.memref_slice %arg3[%mul3A_2, %dma_start3A_7] : memref<10240x256xf32, #tpu.memory_space<hbm>> -> memref<320x256xf32, #tpu.memory_space<hbm>>
      %dma_start3A_9 = arith.constant 0 : i32
      %dma_start3A_10 = tpu.memref_slice %arg3[%mul3A_2, %dma_start3A_9] : memref<10240x256xf32, #tpu.memory_space<hbm>> -> memref<320x256xf32, #tpu.memory_space<hbm>>
      tpu.enqueue_dma source(%dma_start3A_10 : memref<320x256xf32, #tpu.memory_space<hbm>>) target(%arg6 : memref<320x256xf32, #tpu.memory_space<vmem>>) target_semaphore(%run_scoped3A : memref<!tpu.dma_semaphore, #tpu.memory_space<semaphore_mem>>)
      %dma_wait3A_11 = arith.constant 0 : i32
      %dma_wait3A_12 = tpu.memref_slice %arg3[%mul3A_2, %dma_wait3A_11] : memref<10240x256xf32, #tpu.memory_space<hbm>> -> memref<320x256xf32, #tpu.memory_space<hbm>>
      %dma_wait3A_13 = arith.constant 0 : i32
      %dma_wait3A_14 = tpu.memref_slice %arg3[%mul3A_2, %dma_wait3A_13] : memref<10240x256xf32, #tpu.memory_space<hbm>> -> memref<320x256xf32, #tpu.memory_space<hbm>>
      tpu.wait_dma2 semaphore(%run_scoped3A : memref<!tpu.dma_semaphore, #tpu.memory_space<semaphore_mem>>) src(%dma_wait3A_14 : memref<320x256xf32, #tpu.memory_space<hbm>>) dst(%arg6 : memref<320x256xf32, #tpu.memory_space<vmem>>)
      tpu.yield
    }) : () -> ()
    %dma_start3A = arith.constant 0 : i32
    %dma_start3A_3 = arith.constant 0 : i32
    %dma_start3A_4 = tpu.memref_slice %arg4[%dma_start3A, %dma_start3A_3] : memref<10240x256xf32, #tpu.memory_space<hbm>> -> memref<10240x256xf32, #tpu.memory_space<hbm>>
    tpu.enqueue_indirect_dma source(%arg6 : memref<320x256xf32, #tpu.memory_space<vmem>>) target(%dma_start3A_4 : memref<10240x256xf32, #tpu.memory_space<hbm>>) offsets(%arg5 : memref<320xi32, #tpu.memory_space<vmem>>) semaphore(%arg7 : memref<!tpu.dma_semaphore, #tpu.memory_space<semaphore_mem>>)
    %dma_wait3A = arith.constant 0 : i32
    %dma_wait3A_5 = arith.constant 0 : i32
    %dma_wait3A_6 = tpu.memref_slice %arg4[%dma_wait3A, %dma_wait3A_5] : memref<10240x256xf32, #tpu.memory_space<hbm>> -> memref<10240x256xf32, #tpu.memory_space<hbm>>
    tpu.wait_indirect_dma semaphore(%arg7 : memref<!tpu.dma_semaphore, #tpu.memory_space<semaphore_mem>>) src(%arg6 : memref<320x256xf32, #tpu.memory_space<vmem>>) dst(%dma_wait3A_6 : memref<10240x256xf32, #tpu.memory_space<hbm>>)
    return
  }
}

module attributes {stable_mosaic.version = 14 : i64} {
  func.func @_score_kernel(%arg0: i32, %arg1: memref<512x256xf32, #tpu.memory_space<vmem>>, %arg2: memref<512x256xf32, #tpu.memory_space<vmem>>, %arg3: memref<256x1xf32, #tpu.memory_space<vmem>>, %arg4: memref<256x1xf32, #tpu.memory_space<vmem>>, %arg5: memref<8x128xf32, #tpu.memory_space<vmem>>, %arg6: memref<512x1xf32, #tpu.memory_space<vmem>>, %arg7: memref<512x256xf32, #tpu.memory_space<vmem>>) attributes {dimension_semantics = [#tpu.dimension_semantics<arbitrary>], iteration_bounds = array<i64: 20>, scalar_prefetch = 0 : i64, scratch_operands = 0 : i64, tpu.core_type = #tpu.core_type<tc>, window_params = [{transform_indices = @transform_0, window_bounds = array<i64: 512, 256>}, {transform_indices = @transform_1, window_bounds = array<i64: 512, 256>}, {pipeline_mode = #tpu.pipeline_mode<synchronous>, transform_indices = @transform_2, window_bounds = array<i64: 256, 1>}, {pipeline_mode = #tpu.pipeline_mode<synchronous>, transform_indices = @transform_3, window_bounds = array<i64: 256, 1>}, {pipeline_mode = #tpu.pipeline_mode<synchronous>, transform_indices = @transform_4, window_bounds = array<i64: 8, 128>}, {transform_indices = @transform_5, window_bounds = array<i64: 512, 1>}, {transform_indices = @transform_6, window_bounds = array<i64: 512, 256>}]} {
    %mul3A = arith.constant 512 : i32
    %mul3A_0 = arith.muli %arg0, %mul3A : i32
    %get3A = arith.constant 0 : index
    %get3A_1 = arith.constant 0 : index
    %get3A_2 = vector.load %arg1[%get3A, %get3A_1] : memref<512x256xf32, #tpu.memory_space<vmem>>, vector<512x256xf32>
    %get3A_3 = arith.constant 0 : index
    %get3A_4 = arith.constant 0 : index
    %get3A_5 = vector.load %arg2[%get3A_3, %get3A_4] : memref<512x256xf32, #tpu.memory_space<vmem>>, vector<512x256xf32>
    %get3A_6 = arith.constant 0 : index
    %get3A_7 = arith.constant 0 : index
    %get3A_8 = vector.load %arg3[%get3A_6, %get3A_7] : memref<256x1xf32, #tpu.memory_space<vmem>>, vector<256x1xf32>
    %get3A_9 = arith.constant 0 : index
    %get3A_10 = arith.constant 0 : index
    %get3A_11 = vector.load %arg4[%get3A_9, %get3A_10] : memref<256x1xf32, #tpu.memory_space<vmem>>, vector<256x1xf32>
    %get3A_12 = arith.constant 0 : index
    %get3A_13 = arith.constant 0 : index
    %get3A_14 = vector.load %arg5[%get3A_12, %get3A_13] : memref<8x128xf32, #tpu.memory_space<vmem>>, vector<1x1xf32>
    %dot_general3A = arith.constant dense<0.000000e+00> : vector<512x1xf32>
    %dot_general3A_15 = tpu.matmul %get3A_2, %get3A_8, %dot_general3A {dimension_numbers = #tpu.dot_dimension_numbers<[1], [0], [0], [1], [0, 0, 1, 1], [], []>, transpose_lhs_hint = false} : vector<512x256xf32>, vector<256x1xf32>, vector<512x1xf32> -> vector<512x1xf32>
    %dot_general3A_16 = arith.constant dense<0.000000e+00> : vector<512x1xf32>
    %dot_general3A_17 = tpu.matmul %get3A_5, %get3A_11, %dot_general3A_16 {dimension_numbers = #tpu.dot_dimension_numbers<[1], [0], [0], [1], [0, 0, 1, 1], [], []>, transpose_lhs_hint = false} : vector<512x256xf32>, vector<256x1xf32>, vector<512x1xf32> -> vector<512x1xf32>
    %add3A = vector.broadcast %get3A_14 : vector<1x1xf32> to vector<512x1xf32>
    %add3A_18 = arith.addf %dot_general3A_15, %add3A : vector<512x1xf32>
    %add3A_19 = arith.addf %add3A_18, %dot_general3A_17 : vector<512x1xf32>
    %tanh3A = math.tanh %add3A_19 : vector<512x1xf32>
    %iota3A = tpu.iota {dimensions = array<i32: 0>} : vector<512x1xi32>
    %add3A_20 = vector.broadcast %mul3A_0 : i32 to vector<512x1xi32>
    %add3A_21 = arith.addi %add3A_20, %iota3A : vector<512x1xi32>
    %lt3A = arith.constant 10000 : i32
    %lt3A_22 = vector.broadcast %lt3A : i32 to vector<512x1xi32>
    %lt3A_23 = arith.cmpi slt, %add3A_21, %lt3A_22 : vector<512x1xi32>
    %jit3A = arith.constant -2.000000e+00 : f32
    %broadcast_in_dim3A = vector.broadcast %jit3A : f32 to vector<512x1xf32>
    %select_n3A = arith.select %lt3A_23, %tanh3A, %broadcast_in_dim3A : vector<512x1xi1>, vector<512x1xf32>
    %swap3A = arith.constant 0 : index
    %swap3A_24 = arith.constant 0 : index
    %swap3A_25 = vector.load %arg6[%swap3A, %swap3A_24] : memref<512x1xf32, #tpu.memory_space<vmem>>, vector<512x1xf32>
    tpu.vector_store %arg6[%swap3A, %swap3A_24], %select_n3A {strides = array<i32>} : memref<512x1xf32, #tpu.memory_space<vmem>>, vector<512x1xf32>,
    %mul3A_26 = vector.broadcast %select_n3A : vector<512x1xf32> to vector<512x256xf32>
    %mul3A_27 = arith.mulf %get3A_5, %mul3A_26 : vector<512x256xf32>
    %swap3A_28 = arith.constant 0 : index
    %swap3A_29 = arith.constant 0 : index
    %swap3A_30 = vector.load %arg7[%swap3A_28, %swap3A_29] : memref<512x256xf32, #tpu.memory_space<vmem>>, vector<512x256xf32>
    tpu.vector_store %arg7[%swap3A_28, %swap3A_29], %mul3A_27 {strides = array<i32>} : memref<512x256xf32, #tpu.memory_space<vmem>>, vector<512x256xf32>,
    return
  }
  func.func @transform_0(%arg0: i32) -> (i32, i32) {
    %c0_i32 = arith.constant 0 : i32
    %c0_i32_0 = arith.constant 0 : i32
    return %arg0, %c0_i32 : i32, i32
  }
  func.func @transform_1(%arg0: i32) -> (i32, i32) {
    %c0_i32 = arith.constant 0 : i32
    %c0_i32_0 = arith.constant 0 : i32
    return %arg0, %c0_i32 : i32, i32
  }
  func.func @transform_2(%arg0: i32) -> (i32, i32) {
    %c0_i32 = arith.constant 0 : i32
    %c0_i32_0 = arith.constant 0 : i32
    %c0_i32_1 = arith.constant 0 : i32
    return %c0_i32, %c0_i32_0 : i32, i32
  }
  func.func @transform_3(%arg0: i32) -> (i32, i32) {
    %c0_i32 = arith.constant 0 : i32
    %c0_i32_0 = arith.constant 0 : i32
    %c0_i32_1 = arith.constant 0 : i32
    return %c0_i32, %c0_i32_0 : i32, i32
  }
  func.func @transform_4(%arg0: i32) -> (i32, i32) {
    %c0_i32 = arith.constant 0 : i32
    %c0_i32_0 = arith.constant 0 : i32
    %c0_i32_1 = arith.constant 0 : i32
    return %c0_i32, %c0_i32_0 : i32, i32
  }
  func.func @transform_5(%arg0: i32) -> (i32, i32) {
    %c0_i32 = arith.constant 0 : i32
    %c0_i32_0 = arith.constant 0 : i32
    return %arg0, %c0_i32 : i32, i32
  }
  func.func @transform_6(%arg0: i32) -> (i32, i32) {
    %c0_i32 = arith.constant 0 : i32
    %c0_i32_0 = arith.constant 0 : i32
    return %arg0, %c0_i32 : i32, i32
  }
}

module attributes {stable_mosaic.version = 14 : i64} {
  func.func @_rank_kernel(%arg0: i32, %arg1: memref<256x1xf32, #tpu.memory_space<vmem>>, %arg2: memref<8x10240xf32, #tpu.memory_space<vmem>>, %arg3: memref<256x1xi32, #tpu.memory_space<vmem>>) attributes {dimension_semantics = [#tpu.dimension_semantics<arbitrary>], iteration_bounds = array<i64: 40>, scalar_prefetch = 0 : i64, scratch_operands = 0 : i64, tpu.core_type = #tpu.core_type<tc>, window_params = [{transform_indices = @transform_0, window_bounds = array<i64: 256, 1>}, {pipeline_mode = #tpu.pipeline_mode<synchronous>, transform_indices = @transform_1, window_bounds = array<i64: 8, 10240>}, {transform_indices = @transform_2, window_bounds = array<i64: 256, 1>}]} {
    %mul3A = arith.constant 256 : i32
    %mul3A_0 = arith.muli %arg0, %mul3A : i32
    %get3A = arith.constant 0 : index
    %get3A_1 = arith.constant 0 : index
    %get3A_2 = vector.load %arg1[%get3A, %get3A_1] : memref<256x1xf32, #tpu.memory_space<vmem>>, vector<256x1xf32>
    %get3A_3 = arith.constant 0 : index
    %get3A_4 = arith.constant 0 : index
    %get3A_5 = vector.load %arg2[%get3A_3, %get3A_4] : memref<8x10240xf32, #tpu.memory_space<vmem>>, vector<1x10240xf32>
    %gt3A = vector.broadcast %get3A_5 : vector<1x10240xf32> to vector<256x10240xf32>
    %gt3A_6 = vector.broadcast %get3A_2 : vector<256x1xf32> to vector<256x10240xf32>
    %gt3A_7 = arith.cmpf ogt, %gt3A, %gt3A_6 : vector<256x10240xf32>
    %eq3A = vector.broadcast %get3A_5 : vector<1x10240xf32> to vector<256x10240xf32>
    %eq3A_8 = vector.broadcast %get3A_2 : vector<256x1xf32> to vector<256x10240xf32>
    %eq3A_9 = arith.cmpf oeq, %eq3A, %eq3A_8 : vector<256x10240xf32>
    %iota3A = tpu.iota {dimensions = array<i32: 1>} : vector<256x10240xi32>
    %iota3A_10 = tpu.iota {dimensions = array<i32: 0>} : vector<256x10240xi32>
    %add3A = vector.broadcast %mul3A_0 : i32 to vector<256x10240xi32>
    %add3A_11 = arith.addi %add3A, %iota3A_10 : vector<256x10240xi32>
    %lt3A = arith.cmpi slt, %iota3A, %add3A_11 : vector<256x10240xi32>
    %and3A = arith.andi %eq3A_9, %lt3A : vector<256x10240xi1>
    %or3A = arith.ori %gt3A_7, %and3A : vector<256x10240xi1>
    %jit3A = arith.constant 1.000000e+00 : f32
    %jit3A_12 = arith.constant 0.000000e+00 : f32
    %broadcast_in_dim3A = vector.broadcast %jit3A : f32 to vector<256x10240xf32>
    %broadcast_in_dim3A_13 = vector.broadcast %jit3A_12 : f32 to vector<256x10240xf32>
    %select_n3A = arith.select %or3A, %broadcast_in_dim3A, %broadcast_in_dim3A_13 : vector<256x10240xi1>, vector<256x10240xf32>
    %reduce_sum3A = arith.constant dense<0.000000e+00> : vector<256xf32>
    %reduce_sum3A_14 = vector.multi_reduction <add>, %select_n3A, %reduce_sum3A [1] : vector<256x10240xf32> to vector<256xf32>
    %broadcast_in_dim3A_15 = vector.shape_cast %reduce_sum3A_14 : vector<256xf32> to vector<256x1xf32>
    %convert_element_type3A = arith.fptosi %broadcast_in_dim3A_15 : vector<256x1xf32> to vector<256x1xi32>
    %swap3A = arith.constant 0 : index
    %swap3A_16 = arith.constant 0 : index
    %swap3A_17 = vector.load %arg3[%swap3A, %swap3A_16] : memref<256x1xi32, #tpu.memory_space<vmem>>, vector<256x1xi32>
    tpu.vector_store %arg3[%swap3A, %swap3A_16], %convert_element_type3A {strides = array<i32>} : memref<256x1xi32, #tpu.memory_space<vmem>>, vector<256x1xi32>,
    return
  }
  func.func @transform_0(%arg0: i32) -> (i32, i32) {
    %c0_i32 = arith.constant 0 : i32
    %c0_i32_0 = arith.constant 0 : i32
    return %arg0, %c0_i32 : i32, i32
  }
  func.func @transform_1(%arg0: i32) -> (i32, i32) {
    %c0_i32 = arith.constant 0 : i32
    %c0_i32_0 = arith.constant 0 : i32
    %c0_i32_1 = arith.constant 0 : i32
    return %c0_i32, %c0_i32_0 : i32, i32
  }
  func.func @transform_2(%arg0: i32) -> (i32, i32) {
    %c0_i32 = arith.constant 0 : i32
    %c0_i32_0 = arith.constant 0 : i32
    return %arg0, %c0_i32 : i32, i32
  }
}

</mosaic_0001>

<sc_bundles>
// kernel: kernel.5.cloned.1.call-start
scs
__scs_entry_jumppad:
0x0: {  	(pc) =	sbr.rel $0x88, $3  }
0x1: {  	(tag) =	ssettag $0x0;
	lr =	simm.s32 $0x1  }
0x2: {  	[smem:$0x3F9C] =	sst lr;
	_ =	strace $0xD0000000  }
0x3: {  	_ = 	snop  }
0x4: {  	_ = 	snop  }
0x5: {  	_ = 	snop  }
0x6: {  	_ = 	snop  }
0x7: {  	_ = 	snop  }
__scs_overlays_trampoline_lowered:
0x8: {  	[smem:$0x3FAB] =	sst s0  }
0x9: {  	[smem:$0x3FAC] =	sst s1  }
0xa: {  	[smem:$0x3FAD] =	sst s2  }
0xb: {  	[smem:$0x3FAE] =	sst s3  }
0xc: {  	[smem:$0x3FAF] =	sst s4  }
0xd: {  	[smem:$0x3FB0] =	sst s5  }
0xe: {  	[smem:$0x3FB1] =	sst s6  }
0xf: {  	[smem:$0x3FB2] =	sst s7  }
0x10: {  	[smem:$0x3FB3] =	sst s8  }
0x11: {  	[smem:$0x3FB4] =	sst s9;
	s0 =	simm.s32 @!p0 $0x0  }
0x12: {  	s1 =	sld [smem:$0x3F9A];
	s0 =	simm.s32 @p0 $0x1  }
0x13: {  	[smem:$0x3FB5] =	sst s0;
	s0 =	simm.s32 @!p1 $0x0  }
0x14: {  	s2 =	sld [smem:$0x3F99];
	s0 =	simm.s32 @p1 $0x1  }
0x15: {  	[smem:$0x3FB6] =	sst s0;
	s0 =	simm.s32 @!p2 $0x0  }
0x16: {  	s3 =	sld [smem:$0x3FDB];
	s0 =	simm.s32 @p2 $0x1  }
0x17: {  	s4 =	simm.s32 $0x1BF5;
	[smem:$0x3FB8] =	sst s0  }
0x18: {  	s0 =	sld [smem:$0x3F9B];
	_ =	swait.ge [sflag:s4], $0x0  }
0x19: {  	s7 =	sld [smem:$0x3F9C]  }
0x1a: {  	s8 =	sadd.s32 $0xFFFFE003, lr  }
0x1b: {  	s9 =	sadd.s32 $0xFFFFFEF7, lr;
	s5 =	simm.s32 $0xFFFFFFFF;
	p2 =	slt.u32 s8, $0xFFFFF086  }
0x1c: {  	p1 =	slt.u32 s9, $0xF7A;
	s5 =	simm.s32 @!p2 $0x0  }
0x1d: {  	s5 =	simm.s32 @p1 $0x1;
	p0 =	seq.s32 s7, s2  }
0x1e: {  	s7 =	smul.u32 @!p0 $0xF7A, s2;
	p2 =	seq.s32 @!p0 s5, $0x0  }
0x1f: {  	s9 =	smul.u32 $0xF7A, s1;
	s8 =	simm.s32 @!p0 $0x1BF5;
	p2 =	por !p2, p0  }
0x20: {  	[sflag:s8] =	ssyncset.s32 @!p0 $0xFFFFF086;
	s6 =	sadd.s32 @!p0 s3, s7;
	s7 =	simm.s32 @!p0 $0x108  }
0x21: {  	s3 =	sadd.s32 s3, s9;
	s6 =	sadd.s32 @!p0 $0x88, s6;
	s7 =	simm.s32 @p2 $0x1082  }
0x22: {  	[simem:s7], [sflag:s8] =	dma.local @!p0 [hbm:s6], $0xF7A  }
0x23: {  	s9 =	sor.u32 $0xD0000000, s2;
	s6 =	simm.s32 $0x108;
	_ =	swait.ge @!p0 [sflag:s8], $0x0  }
0x24: {  	s3 =	sadd.s32 $0x88, s3;
	s6 =	simm.s32 @!p1 $0x1082;
	[sflag:s4] =	ssyncset.s32 $0xFFFFF086  }
0x25: {  	[simem:s6], [sflag:s4] =	dma.local [hbm:s3], $0xF7A  }
0x26: {  	[smem:$0x3F9C] =	sst s1;
	(tag) =	ssettag s2;
	_ =	strace s9  }
0x27: {  	s1 =	sld [smem:$0x3FAC]  }
0x28: {  	s2 =	sld [smem:$0x3FAD]  }
0x29: {  	s4 =	sld [smem:$0x3FAF]  }
0x2a: {  	p0 =	seq.s32 s5, $0x0;
	s5 =	sld [smem:$0x3FB0]  }
0x2b: {  	s6 =	sld [smem:$0x3FB1]  }
0x2c: {  	s7 =	sld [smem:$0x3FB2]  }
0x2d: {  	s3 =	simm.s32 $0x108;
	s8 =	sld [smem:$0x3FB3]  }
0x2e: {  	s3 =	simm.s32 @!p0 $0x1082;
	s9 =	sld [smem:$0x3FB4]  }
0x2f: {  	lr =	sadd.s32 s0, s3;
	s0 =	sld [smem:$0x3FAB]  }
0x30: {  	s3 =	sld [smem:$0x3FAE]  }
0x31: {  	[smem:$0x3FB7] =	sst s10  }
0x32: {  	s10 =	sld [smem:$0x3FB5];
	_ =	sdelay $0x3  }
0x33: {  	p0 =	seq.s32 s10, $0x1;
	s10 =	sld [smem:$0x3FB7];
	_ =	sdelay $0x3  }
0x34: {  	[smem:$0x3FB7] =	sst s10  }
0x35: {  	s10 =	sld [smem:$0x3FB6];
	_ =	sdelay $0x3  }
0x36: {  	p1 =	seq.s32 s10, $0x1;
	s10 =	sld [smem:$0x3FB7];
	_ =	sdelay $0x3  }
0x37: {  	[smem:$0x3FB7] =	sst s10  }
0x38: {  	s10 =	sld [smem:$0x3FB8]  }
0x39: {  	_ = 	snop;
	(pc) =	sbr.ind lr, $3  }
0x3a: {  	_ = 	snop  }
0x3b: {  	_ = 	snop  }
0x3c: {  	p2 =	seq.s32 s10, $0x1;
	s10 =	sld [smem:$0x3FB7]  }
0x3d: {  	_ =	shalt  }
0x3e: {  	_ =	shalt  }
0x3f: {  	_ =	shalt  }
0x40: {  	_ =	shalt  }
0x41: {  	_ =	shalt  }
0x42: {  	_ =	shalt  }
0x43: {  	_ =	shalt  }
0x44: {  	_ =	shalt  }
0x45: {  	_ =	shalt  }
0x46: {  	_ =	shalt  }
0x47: {  	_ =	shalt  }
0x48: {  	_ =	shalt  }
0x49: {  	_ =	shalt  }
0x4a: {  	_ =	shalt  }
0x4b: {  	_ =	shalt  }
0x4c: {  	_ =	shalt  }
0x4d: {  	_ =	shalt  }
0x4e: {  	_ =	shalt  }
0x4f: {  	_ =	shalt  }
0x50: {  	_ =	shalt  }
0x51: {  	_ =	shalt  }
0x52: {  	_ =	shalt  }
0x53: {  	_ =	shalt  }
0x54: {  	_ =	shalt  }
0x55: {  	_ =	shalt  }
0x56: {  	_ =	shalt  }
0x57: {  	_ =	shalt  }
0x58: {  	_ =	shalt  }
0x59: {  	_ =	shalt  }
0x5a: {  	_ =	shalt  }
0x5b: {  	_ =	shalt  }
0x5c: {  	_ =	shalt  }
0x5d: {  	_ =	shalt  }
0x5e: {  	_ =	shalt  }
0x5f: {  	_ =	shalt  }
0x60: {  	_ =	shalt  }
0x61: {  	_ =	shalt  }
0x62: {  	_ =	shalt  }
0x63: {  	_ =	shalt  }
0x64: {  	_ =	shalt  }
0x65: {  	_ =	shalt  }
0x66: {  	_ =	shalt  }
0x67: {  	_ =	shalt  }
0x68: {  	_ =	shalt  }
0x69: {  	_ =	shalt  }
0x6a: {  	_ =	shalt  }
0x6b: {  	_ =	shalt  }
0x6c: {  	_ =	shalt  }
0x6d: {  	_ =	shalt  }
0x6e: {  	_ =	shalt  }
0x6f: {  	_ =	shalt  }
0x70: {  	_ =	shalt  }
0x71: {  	_ =	shalt  }
0x72: {  	_ =	shalt  }
0x73: {  	_ =	shalt  }
0x74: {  	_ =	shalt  }
0x75: {  	_ =	shalt  }
0x76: {  	_ =	shalt  }
0x77: {  	_ =	shalt  }
0x78: {  	_ =	shalt  }
0x79: {  	_ =	shalt  }
0x7a: {  	_ =	shalt  }
0x7b: {  	_ =	shalt  }
0x7c: {  	_ =	shalt  }
0x7d: {  	_ =	shalt  }
0x7e: {  	_ =	shalt  }
0x7f: {  	_ =	shalt  }
0x80: {  	_ =	shalt  }
0x81: {  	_ =	shalt  }
0x82: {  	_ =	shalt  }
0x83: {  	_ =	shalt  }
0x84: {  	_ =	shalt  }
0x85: {  	_ =	shalt  }
0x86: {  	_ =	shalt  }
0x87: {  	_ =	shalt  }
.Lfunc_end0:
.L_simem_size_0:
called_computation.1_lowered:
.L_overlay_start_0:
0x88: {  	s2 =	sld [smem:$0x3FD9]  }
0x89: {  	s3 =	sld [smem:$0x3FFE];
	_ =	sdelay $0x1  }
0x8a: {  	s1 =	srdreg.scid  }
0x8b: {  	s0 =	sand.u32 $0x1, s1  }
0x8c: {  	s14 =	sshll.u32 s0, $0xA;
	s2 =	sadd.s32 s3, s2  }
0x8d: {  	s2 =	sadd.s32 s2, s14  }
0x8e: {  	[smem:$0x3FC3] =	sst s2  }
0x8f: {  	_ = 	snop  }
0x90: {  	s2 =	sld [smem:$0x3FD0];
	_ =	sdelay $0x2  }
0x91: {  	s15 =	simm.s32 $0xA;
	s4 =	simm.s32 $0x10  }
0x92: {  	[smem:s4], [sflag:s15] =	dma.local [hbm:s2], $0x1  }
0x93: {  	_ =	swait.eq [sflag:s15], $0x1  }
0x94: {  	[sflag:s15] =	ssyncset.done $0x0  }
0x95: {  	[sflag:s15] =	ssyncadd.s32 $0xFFFFFFFF  }
0x96: {  	s16 =	sld [smem:$0x10];
	(tm) =	ssettm $0x1  }
0x97: {  	s17 =	sld [smem:$0x3FFB];
	_ =	sdelay $0x3  }
0x98: {  	_ =	strace s17  }
0x99: {  	s3 =	sld [smem:$0x3FFC];
	_ =	sdelay $0x3  }
0x9a: {  	_ =	strace s3  }
0x9b: {  	s3 =	sld [smem:$0x3FFD];
	_ =	sdelay $0x3  }
0x9c: {  	_ =	strace s3  }
0x9d: {  	_ =	strace $0x8FFFFFFF  }
0x9e: {  	s18 =	sld [smem:$0x3FDB];
	_ =	sdelay $0x1  }
0x9f: {  	s19 =	simm.s32 $_scs_section_size  }
0xa0: {  	s5 =	simm.s32 $_size__tile_overlayer_lowered;
	s6 =	simm.s32 $_tile_overlayer_lowered  }
0xa1: {  	s22 =	simm.s32 $0x1BFF;
	s21 =	sshll.u32 s6, $0x1;
	s3 =	sadd.s32 s19, s18  }
0xa2: {  	s7 =	simm.s32 $0x0;
	s20 =	sshll.u32 s5, $0x1;
	s5 =	sadd.s32 s21, s3  }
0xa3: {  	[timem:s7], [sflag:s22] =	dma.local [hbm:s5], s20  }
0xa4: {  	_ =	swait.ge [sflag:s22], s20  }
0xa5: {  	s4 =	ssub.s32 $0x0, s20;
	[sflag:s22] =	ssyncset.done $0x0  }
0xa6: {  	[sflag:s22] =	ssyncadd.s32 s4;
	_ =	sdelay $0x1  }
0xa7: {  	s23 =	simm.s32 $0x1B8B  }
0xa8: {  	_ =	swait.ge [sflag:s23], $0x1  }
0xa9: {  	[sflag:s23] =	ssyncset.done $0x0  }
0xaa: {  	s25 =	simm.s32 $0x1B8E;
	s24 =	sld [smem:$0x3FFE];
	[sflag:s23] =	ssyncadd.s32 $0xFFFFFFFF  }
0xab: {  	s26 =	simm.s32 $execute0_lowered;
	[smem:$0x3FD2] =	sst s25  }
0xac: {  	s5 =	sshll.u32 s26, $0x1;
	_ =	strace $0x80000049;
	[dreg:$0x1] =	wrdreg $0xFFFFFFFF  }
0xad: {  	s28 =	simm.s32 $_size_execute0_lowered;
	s3 =	sadd.s32 s3, s5;
	[dreg:$0x0] =	wrdreg $0x0  }
0xae: {  	s5 =	sshll.u32 s28, $0x1;
	[dreg:$0x2] =	wrdreg s3  }
0xaf: {  	[dreg:$0x3] =	wrdreg s5  }
0xb0: {  	[dreg:$0x4] =	wrdreg $0xC0  }
0xb1: {  	_ =	task [dreg:s7], $0x5FFFF  }
0xb2: {  	[dreg:$0x1] =	wrdreg $0xFFFFFFFF  }
0xb3: {  	[dreg:$0x0] =	wrdreg $0x60  }
0xb4: {  	[dreg:$0x2] =	wrdreg s16  }
0xb5: {  	[dreg:$0x3] =	wrdreg s24  }
0xb6: {  	[dreg:$0x4] =	wrdreg $0x9  }
0xb7: {  	_ =	task.clear_ibuf [dreg:s7], $0x5FFFF;
	_ =	strace $0x90000049  }
0xb8: {  	s29 =	simm.s32 $0x9;
	_ =	strace $0x8000004B  }
0xb9: {  	_ =	swait.ge [sflag:s29], $0x1  }
0xba: {  	[sflag:s29] =	ssyncadd.s32 $0xFFFFFFFF  }
0xbb: {  	_ =	strace $0x9000004B  }
0xbc: {  	_ =	sfence  }
0xbd: {  	s30 =	sld [smem:$0x0];
	_ =	sdelay $0x2  }
0xbe: {  	s31 =	sshll.u32 s1, $0xD;
	s1 =	sshrl.u32 s1, $0x2  }
0xbf: {  	s3 =	sand.u32 $0x4000, s31;
	s1 =	sadd.s32 s1, s30  }
0xc0: {  	s0 =	sor.u32 s3, s0;
	s1 =	sshll.u32 s1, $0x11  }
0xc1: {  	s0 =	sor.u32 s1, s0  }
0xc2: {  	s0 =	sadd.s32 $0x8F2B, s0  }
0xc3: {  	[sflag:s0] =	ssyncadd.remote.s32 $0x1  }
0xc4: {  	_ =	sfence.sel $0xFFFF  }
0xc5: {  	[dreg:$0x0] =	wrdreg $0xFFFFFFFF;
	(pc) =	sbr.abs _section_cstart, $3  }
0xc6: {  	[dreg:$0x1] =	wrdreg $0xFFFFFFFF  }
0xc7: {  	_ =	task.clear_ibuf [dreg:s7], $0x2FFFF;
	_ =	strace $0x9FFFFFFF  }
0xc8: {  	(tm) =	ssettm $0x7FFFFFFF  }
0xc9: {  	_ =	shalt  }
tec
execute0_lowered:
.L_overlay_start_1:
0x0: {  	(tag) =	ssettag $0x1  }
0x1: {  	s1 =	srdreg.scid;
	s0 =	stileid.u32  }
0x2: {  	s4 =	rddreg [dreg:$0x0];
	s1 =	sand.u32 $0x1, s1;
	s2 =	sshll.u32 s0, $0x1  }
0x3: {  	s6 =	rddreg [dreg:$0x1];
	s3 =	sor.u32 s1, s2;
	s2 =	simm.s32 $0x0  }
0x4: {  	s9 =	simm.s32 $0x80;
	[smem:$0x7FF] =	sst s2  }
0x5: {  	s10 =	simm.s32 $0x400;
	_ =	strace $0x8000004A;
	[dreg:$0x5] =	wrdreg s9  }
0x6: {  	s11 =	simm.s32 $0x980;
	[dreg:$0x6] =	wrdreg s10  }
0x7: {  	s12 =	simm.s32 $0x1180;
	[dreg:$0x7] =	wrdreg s11  }
0x8: {  	s13 =	simm.s32 $0x1980;
	[dreg:$0x8] =	wrdreg s12  }
0x9: {  	s14 =	simm.s32 $0x2180;
	s15 =	simm.s32 $0x2980;
	[dreg:$0x9] =	wrdreg s13  }
0xa: {  	s16 =	simm.s32 $0x3180;
	s17 =	simm.s32 $0x3980;
	[dreg:$0xa] =	wrdreg s14  }
0xb: {  	s18 =	simm.s32 $0x4180;
	s19 =	simm.s32 $0x4980;
	[dreg:$0xb] =	wrdreg s15  }
0xc: {  	s20 =	simm.s32 $0x5180;
	s21 =	simm.s32 $0x5980;
	[dreg:$0xc] =	wrdreg s16  }
0xd: {  	s23 =	simm.s32 $0x6180;
	s24 =	simm.s32 $0x6980;
	[dreg:$0xd] =	wrdreg s17  }
0xe: {  	s25 =	simm.s32 $0x7180;
	s26 =	simm.s32 $0x7980;
	[dreg:$0xe] =	wrdreg s18  }
0xf: {  	s28 =	simm.s32 $0x12180;
	s29 =	simm.s32 $0x12980;
	[dreg:$0xf] =	wrdreg s19  }
0x10: {  	s30 =	simm.s32 $0x13180;
	s7 =	sshrl.u32 s0, $0x2;
	[dreg:$0x10] =	wrdreg s20  }
0x11: {  	s31 =	simm.s32 $0x13980;
	s5 =	smul.u32 $0xC00, s7;
	[dreg:$0x11] =	wrdreg s21  }
0x12: {  	s1 =	ssub.s32 $0x2, s1;
	s8 =	sshll.u32 s3, $0x7;
	[dreg:$0x12] =	wrdreg s23  }
0x13: {  	s3 =	smul.u32 $0x2800, s3;
	s22 =	sshrl.u32 s1, $0x1;
	[dreg:$0x13] =	wrdreg s24  }
0x14: {  	s7 =	sand.u32 $0x380, s8;
	s1 =	ssub.s32 s1, s22;
	[dreg:$0x14] =	wrdreg s25  }
0x15: {  	[dreg:$0x15] =	wrdreg s26;
	s9 =	simm.s32 $0x9180;
	s10 =	simm.s32 $0x9980  }
0x16: {  	s11 =	simm.s32 $0xA180;
	s12 =	simm.s32 $0xA980;
	s13 =	simm.s32 $0xB180  }
0x17: {  	s14 =	simm.s32 $0xB980;
	s15 =	simm.s32 $0xC180;
	s16 =	simm.s32 $0xC980  }
0x18: {  	s17 =	simm.s32 $0xD180;
	s18 =	simm.s32 $0xD980;
	s19 =	simm.s32 $0xE180  }
0x19: {  	s20 =	simm.s32 $0xE980;
	s21 =	simm.s32 $0xF180;
	s22 =	simm.s32 $0xF980  }
0x1a: {  	s23 =	simm.s32 $0x10180;
	s24 =	simm.s32 $0x10980;
	s25 =	simm.s32 $0x11180  }
0x1b: {  	s26 =	simm.s32 $0x11980;
	s5 =	sor.u32 s5, s7;
	s3 =	sadd.s32 s6, s3  }
0x1c: {  	v2 =	vlaneseq.u32;
	s5 =	sshrl.u32 s5, $0x3;
	[dreg:$0x4] =	wrdreg s3;
	s3 =	sadd.s32 $0x50000, s6  }
0x1d: {  	vm0 =	vmmov $0xffff;
	v1 =	vshrl.u32 v2, $0x3;
	s6 =	simm.s32 $0x180;
	s4 =	sadd.s32 s4, s5;
	s5 =	simm.s32 $0x2  }
0x1e: {  	v0 =	vand.u32 $0x7, v2;
	v2 =	vor.u32 $0x8, v2;
	v1 =	vmul.u32 $0x8, v1;
	[dreg:$0x3] =	wrdreg s4;
	s4 =	smax.u32 s1, $0x1;
	s1 =	simm.s32 $0x1  }
.LBB2_1:
0x1f: {  	s0 =	rddreg [dreg:$0x3]  }
0x20: {  	s7 =	rddreg [dreg:$0x5]  }
0x21: {  	s8 =	rddreg [dreg:$0x6]  }
0x22: {  	[tilespmem:s2], [sflag:$0x2] =	stream.strided.gather [hbm4b:s0+s7], $0x180, s8, s7, $0x38;
	[tilespmem:$0x14180] =	vst v63  }
0x23: {  	_ =	swait.ge [sflag:s5], $0x180  }
0x24: {  	[sflag:s5] =	ssyncset.done $0x0  }
0x25: {  	s7 =	rddreg [dreg:$0x4];
	[sflag:s5] =	ssyncadd.s32 $0xFFFFFE80  }
0x26: {  	[tilespmem:s6], [sflag:$0x2] =	stream.linear.gather [hbm4b:s7+s2], $0x14000, $0x38;
	[tilespmem:$0x14180] =	vst v63  }
0x27: {  	_ =	swait.ge [sflag:s5], $0x14000  }
0x28: {  	[sflag:s5] =	ssyncset.done $0x0  }
0x29: {  	[sflag:s5] =	ssyncadd.s32 $0xFFFEC000  }
0x2a: {  	v3 =	vld [tilespmem:$0x0];
	_ =	sdelay $0x4  }
0x2b: {  	v4 =	vshll.u32 v3, $0x1  }
0x2c: {  	v3 =	vand.u32 $0x7, v3;
	v4 =	vand.u32 $0xFFFFFFF0, v4  }
0x2d: {  	v3 =	vor.u32 v3, v4  }
0x2e: {  	v4 =	vperm.xlane v3, v0;
	_ =	sdelay $0x1  }
0x2f: {  	v3 =	vperm.xlane v3, v2;
	v4 =	vadd.s32 v1, v4;
	_ =	sdelay $0x1  }
0x30: {  	v3 =	vadd.s32 v1, v3;
	_ =	sdelay $0x2  }
0x31: {  	[hbm4b:s3+s2] =	stream.indirect_vreg.scatter [tilespmem:s6], [sflag:$0x1], $0x80, v4, vm0, $0xb8;
	[tilespmem:$0x14180] =	vst v63  }
0x32: {  	s8 =	rddreg [dreg:$0x7]  }
0x33: {  	[hbm4b:s3+s2] =	stream.indirect_vreg.scatter [tilespmem:s8], [sflag:$0x1], $0x80, v3, vm0, $0xb8;
	[tilespmem:$0x14180] =	vst v63  }
0x34: {  	v3 =	vld [tilespmem:$0x10];
	_ =	sdelay $0x4  }
0x35: {  	v45 =	vshll.u32 v3, $0x1  }
0x36: {  	v3 =	vand.u32 $0x7, v3;
	v4 =	vand.u32 $0xFFFFFFF0, v45  }
0x37: {  	v3 =	vor.u32 v3, v4  }
0x38: {  	v4 =	vperm.xlane v3, v0;
	_ =	sdelay $0x1  }
0x39: {  	v3 =	vperm.xlane v3, v2;
	v4 =	vadd.s32 v1, v4;
	_ =	sdelay $0x1  }
0x3a: {  	v3 =	vadd.s32 v1, v3;
	_ =	sdelay $0x1  }
0x3b: {  	s7 =	rddreg [dreg:$0x8]  }
0x3c: {  	[hbm4b:s3+s2] =	stream.indirect_vreg.scatter [tilespmem:s7], [sflag:$0x1], $0x80, v4, vm0, $0xb8;
	[tilespmem:$0x14180] =	vst v63  }
0x3d: {  	s8 =	rddreg [dreg:$0x9]  }
0x3e: {  	[hbm4b:s3+s2] =	stream.indirect_vreg.scatter [tilespmem:s8], [sflag:$0x1], $0x80, v3, vm0, $0xb8;
	[tilespmem:$0x14180] =	vst v63  }
0x3f: {  	v3 =	vld [tilespmem:$0x20];
	_ =	sdelay $0x4  }
0x40: {  	v46 =	vshll.u32 v3, $0x1  }
0x41: {  	v3 =	vand.u32 $0x7, v3;
	v4 =	vand.u32 $0xFFFFFFF0, v46  }
0x42: {  	v3 =	vor.u32 v3, v4  }
0x43: {  	v4 =	vperm.xlane v3, v0;
	_ =	sdelay $0x1  }
0x44: {  	v3 =	vperm.xlane v3, v2;
	v4 =	vadd.s32 v1, v4;
	_ =	sdelay $0x1  }
0x45: {  	v3 =	vadd.s32 v1, v3;
	_ =	sdelay $0x1  }
0x46: {  	s7 =	rddreg [dreg:$0xa]  }
0x47: {  	[hbm4b:s3+s2] =	stream.indirect_vreg.scatter [tilespmem:s7], [sflag:$0x1], $0x80, v4, vm0, $0xb8;
	[tilespmem:$0x14180] =	vst v63  }
0x48: {  	s8 =	rddreg [dreg:$0xb]  }
0x49: {  	[hbm4b:s3+s2] =	stream.indirect_vreg.scatter [tilespmem:s8], [sflag:$0x1], $0x80, v3, vm0, $0xb8;
	[tilespmem:$0x14180] =	vst v63  }
0x4a: {  	v3 =	vld [tilespmem:$0x30];
	_ =	sdelay $0x4  }
0x4b: {  	v47 =	vshll.u32 v3, $0x1  }
0x4c: {  	v3 =	vand.u32 $0x7, v3;
	v4 =	vand.u32 $0xFFFFFFF0, v47  }
0x4d: {  	v3 =	vor.u32 v3, v4  }
0x4e: {  	v4 =	vperm.xlane v3, v0;
	_ =	sdelay $0x1  }
0x4f: {  	v3 =	vperm.xlane v3, v2;
	v4 =	vadd.s32 v1, v4;
	_ =	sdelay $0x1  }
0x50: {  	v3 =	vadd.s32 v1, v3;
	_ =	sdelay $0x1  }
0x51: {  	s7 =	rddreg [dreg:$0xc]  }
0x52: {  	[hbm4b:s3+s2] =	stream.indirect_vreg.scatter [tilespmem:s7], [sflag:$0x1], $0x80, v4, vm0, $0xb8;
	[tilespmem:$0x14180] =	vst v63  }
0x53: {  	s8 =	rddreg [dreg:$0xd]  }
0x54: {  	[hbm4b:s3+s2] =	stream.indirect_vreg.scatter [tilespmem:s8], [sflag:$0x1], $0x80, v3, vm0, $0xb8;
	[tilespmem:$0x14180] =	vst v63  }
0x55: {  	v3 =	vld [tilespmem:$0x40];
	_ =	sdelay $0x4  }
0x56: {  	v48 =	vshll.u32 v3, $0x1  }
0x57: {  	v3 =	vand.u32 $0x7, v3;
	v4 =	vand.u32 $0xFFFFFFF0, v48  }
0x58: {  	v3 =	vor.u32 v3, v4  }
0x59: {  	v4 =	vperm.xlane v3, v0;
	_ =	sdelay $0x1  }
0x5a: {  	v3 =	vperm.xlane v3, v2;
	v4 =	vadd.s32 v1, v4;
	_ =	sdelay $0x1  }
0x5b: {  	v3 =	vadd.s32 v1, v3;
	_ =	sdelay $0x1  }
0x5c: {  	s7 =	rddreg [dreg:$0xe]  }
0x5d: {  	[hbm4b:s3+s2] =	stream.indirect_vreg.scatter [tilespmem:s7], [sflag:$0x1], $0x80, v4, vm0, $0xb8;
	[tilespmem:$0x14180] =	vst v63  }
0x5e: {  	s8 =	rddreg [dreg:$0xf]  }
0x5f: {  	[hbm4b:s3+s2] =	stream.indirect_vreg.scatter [tilespmem:s8], [sflag:$0x1], $0x80, v3, vm0, $0xb8;
	[tilespmem:$0x14180] =	vst v63  }
0x60: {  	v3 =	vld [tilespmem:$0x50];
	_ =	sdelay $0x4  }
0x61: {  	v49 =	vshll.u32 v3, $0x1  }
0x62: {  	v3 =	vand.u32 $0x7, v3;
	v4 =	vand.u32 $0xFFFFFFF0, v49  }
0x63: {  	v3 =	vor.u32 v3, v4  }
0x64: {  	v4 =	vperm.xlane v3, v0;
	_ =	sdelay $0x1  }
0x65: {  	v3 =	vperm.xlane v3, v2;
	v4 =	vadd.s32 v1, v4;
	_ =	sdelay $0x1  }
0x66: {  	v3 =	vadd.s32 v1, v3;
	_ =	sdelay $0x1  }
0x67: {  	s7 =	rddreg [dreg:$0x10]  }
0x68: {  	[hbm4b:s3+s2] =	stream.indirect_vreg.scatter [tilespmem:s7], [sflag:$0x1], $0x80, v4, vm0, $0xb8;
	[tilespmem:$0x14180] =	vst v63  }
0x69: {  	s8 =	rddreg [dreg:$0x11]  }
0x6a: {  	[hbm4b:s3+s2] =	stream.indirect_vreg.scatter [tilespmem:s8], [sflag:$0x1], $0x80, v3, vm0, $0xb8;
	[tilespmem:$0x14180] =	vst v63  }
0x6b: {  	v3 =	vld [tilespmem:$0x60];
	_ =	sdelay $0x4  }
0x6c: {  	v50 =	vshll.u32 v3, $0x1  }
0x6d: {  	v3 =	vand.u32 $0x7, v3;
	v4 =	vand.u32 $0xFFFFFFF0, v50  }
0x6e: {  	v3 =	vor.u32 v3, v4  }
0x6f: {  	v4 =	vperm.xlane v3, v0;
	_ =	sdelay $0x1  }
0x70: {  	v3 =	vperm.xlane v3, v2;
	v4 =	vadd.s32 v1, v4;
	_ =	sdelay $0x1  }
0x71: {  	v3 =	vadd.s32 v1, v3;
	_ =	sdelay $0x1  }
0x72: {  	s7 =	rddreg [dreg:$0x12]  }
0x73: {  	[hbm4b:s3+s2] =	stream.indirect_vreg.scatter [tilespmem:s7], [sflag:$0x1], $0x80, v4, vm0, $0xb8;
	[tilespmem:$0x14180] =	vst v63  }
0x74: {  	s8 =	rddreg [dreg:$0x13]  }
0x75: {  	[hbm4b:s3+s2] =	stream.indirect_vreg.scatter [tilespmem:s8], [sflag:$0x1], $0x80, v3, vm0, $0xb8;
	[tilespmem:$0x14180] =	vst v63  }
0x76: {  	v3 =	vld [tilespmem:$0x70];
	_ =	sdelay $0x4  }
0x77: {  	v51 =	vshll.u32 v3, $0x1  }
0x78: {  	v3 =	vand.u32 $0x7, v3;
	v4 =	vand.u32 $0xFFFFFFF0, v51  }
0x79: {  	v3 =	vor.u32 v3, v4  }
0x7a: {  	v4 =	vperm.xlane v3, v0;
	_ =	sdelay $0x1  }
0x7b: {  	v3 =	vperm.xlane v3, v2;
	v4 =	vadd.s32 v1, v4;
	_ =	sdelay $0x1  }
0x7c: {  	v3 =	vadd.s32 v1, v3;
	_ =	sdelay $0x1  }
0x7d: {  	s7 =	rddreg [dreg:$0x14]  }
0x7e: {  	[hbm4b:s3+s2] =	stream.indirect_vreg.scatter [tilespmem:s7], [sflag:$0x1], $0x80, v4, vm0, $0xb8;
	[tilespmem:$0x14180] =	vst v63  }
0x7f: {  	s8 =	rddreg [dreg:$0x15]  }
0x80: {  	[hbm4b:s3+s2] =	stream.indirect_vreg.scatter [tilespmem:s8], [sflag:$0x1], $0x80, v3, vm0, $0xb8;
	[tilespmem:$0x14180] =	vst v63  }
0x81: {  	v3 =	vld [tilespmem:$0x80];
	_ =	sdelay $0x4  }
0x82: {  	v52 =	vshll.u32 v3, $0x1  }
0x83: {  	v3 =	vand.u32 $0x7, v3;
	v4 =	vand.u32 $0xFFFFFFF0, v52  }
0x84: {  	v3 =	vor.u32 v3, v4  }
0x85: {  	v4 =	vperm.xlane v3, v0;
	_ =	sdelay $0x1  }
0x86: {  	v3 =	vperm.xlane v3, v2;
	v4 =	vadd.s32 v1, v4;
	_ =	sdelay $0x1  }
0x87: {  	v3 =	vadd.s32 v1, v3;
	_ =	sdelay $0x1  }
0x88: {  	s7 =	simm.s32 $0x8180  }
0x89: {  	[hbm4b:s3+s2] =	stream.indirect_vreg.scatter [tilespmem:s7], [sflag:$0x1], $0x80, v4, vm0, $0xb8;
	[tilespmem:$0x14180] =	vst v63  }
0x8a: {  	s8 =	simm.s32 $0x8980  }
0x8b: {  	[hbm4b:s3+s2] =	stream.indirect_vreg.scatter [tilespmem:s8], [sflag:$0x1], $0x80, v3, vm0, $0xb8;
	[tilespmem:$0x14180] =	vst v63  }
0x8c: {  	v3 =	vld [tilespmem:$0x90];
	_ =	sdelay $0x4  }
0x8d: {  	v53 =	vshll.u32 v3, $0x1  }
0x8e: {  	v3 =	vand.u32 $0x7, v3;
	v4 =	vand.u32 $0xFFFFFFF0, v53  }
0x8f: {  	v3 =	vor.u32 v3, v4  }
0x90: {  	v4 =	vperm.xlane v3, v0;
	_ =	sdelay $0x1  }
0x91: {  	v3 =	vperm.xlane v3, v2;
	v4 =	vadd.s32 v1, v4;
	_ =	sdelay $0x1  }
0x92: {  	v3 =	vadd.s32 v1, v3;
	_ =	sdelay $0x2  }
0x93: {  	[hbm4b:s3+s2] =	stream.indirect_vreg.scatter [tilespmem:s9], [sflag:$0x1], $0x80, v4, vm0, $0xb8;
	[tilespmem:$0x14180] =	vst v63  }
0x94: {  	_ = 	snop  }
0x95: {  	[hbm4b:s3+s2] =	stream.indirect_vreg.scatter [tilespmem:s10], [sflag:$0x1], $0x80, v3, vm0, $0xb8;
	[tilespmem:$0x14180] =	vst v63  }
0x96: {  	v3 =	vld [tilespmem:$0xA0];
	_ =	sdelay $0x4  }
0x97: {  	v54 =	vshll.u32 v3, $0x1  }
0x98: {  	v3 =	vand.u32 $0x7, v3;
	v4 =	vand.u32 $0xFFFFFFF0, v54  }
0x99: {  	v3 =	vor.u32 v3, v4  }
0x9a: {  	v4 =	vperm.xlane v3, v0;
	_ =	sdelay $0x1  }
0x9b: {  	v3 =	vperm.xlane v3, v2;
	v4 =	vadd.s32 v1, v4;
	_ =	sdelay $0x1  }
0x9c: {  	v3 =	vadd.s32 v1, v3;
	_ =	sdelay $0x2  }
0x9d: {  	[hbm4b:s3+s2] =	stream.indirect_vreg.scatter [tilespmem:s11], [sflag:$0x1], $0x80, v4, vm0, $0xb8;
	[tilespmem:$0x14180] =	vst v63  }
0x9e: {  	_ = 	snop  }
0x9f: {  	[hbm4b:s3+s2] =	stream.indirect_vreg.scatter [tilespmem:s12], [sflag:$0x1], $0x80, v3, vm0, $0xb8;
	[tilespmem:$0x14180] =	vst v63  }
0xa0: {  	v3 =	vld [tilespmem:$0xB0];
	_ =	sdelay $0x4  }
0xa1: {  	v55 =	vshll.u32 v3, $0x1  }
0xa2: {  	v3 =	vand.u32 $0x7, v3;
	v4 =	vand.u32 $0xFFFFFFF0, v55  }
0xa3: {  	v3 =	vor.u32 v3, v4  }
0xa4: {  	v4 =	vperm.xlane v3, v0;
	_ =	sdelay $0x1  }
0xa5: {  	v3 =	vperm.xlane v3, v2;
	v4 =	vadd.s32 v1, v4;
	_ =	sdelay $0x1  }
0xa6: {  	v3 =	vadd.s32 v1, v3;
	_ =	sdelay $0x2  }
0xa7: {  	[hbm4b:s3+s2] =	stream.indirect_vreg.scatter [tilespmem:s13], [sflag:$0x1], $0x80, v4, vm0, $0xb8;
	[tilespmem:$0x14180] =	vst v63  }
0xa8: {  	_ = 	snop  }
0xa9: {  	[hbm4b:s3+s2] =	stream.indirect_vreg.scatter [tilespmem:s14], [sflag:$0x1], $0x80, v3, vm0, $0xb8;
	[tilespmem:$0x14180] =	vst v63  }
0xaa: {  	v3 =	vld [tilespmem:$0xC0];
	_ =	sdelay $0x4  }
0xab: {  	v56 =	vshll.u32 v3, $0x1  }
0xac: {  	v3 =	vand.u32 $0x7, v3;
	v4 =	vand.u32 $0xFFFFFFF0, v56  }
0xad: {  	v3 =	vor.u32 v3, v4  }
0xae: {  	v4 =	vperm.xlane v3, v0;
	_ =	sdelay $0x1  }
0xaf: {  	v3 =	vperm.xlane v3, v2;
	v4 =	vadd.s32 v1, v4;
	_ =	sdelay $0x1  }
0xb0: {  	v3 =	vadd.s32 v1, v3;
	_ =	sdelay $0x2  }
0xb1: {  	[hbm4b:s3+s2] =	stream.indirect_vreg.scatter [tilespmem:s15], [sflag:$0x1], $0x80, v4, vm0, $0xb8;
	[tilespmem:$0x14180] =	vst v63  }
0xb2: {  	_ = 	snop  }
0xb3: {  	[hbm4b:s3+s2] =	stream.indirect_vreg.scatter [tilespmem:s16], [sflag:$0x1], $0x80, v3, vm0, $0xb8;
	[tilespmem:$0x14180] =	vst v63  }
0xb4: {  	v3 =	vld [tilespmem:$0xD0];
	_ =	sdelay $0x4  }
0xb5: {  	v57 =	vshll.u32 v3, $0x1  }
0xb6: {  	v3 =	vand.u32 $0x7, v3;
	v4 =	vand.u32 $0xFFFFFFF0, v57  }
0xb7: {  	v3 =	vor.u32 v3, v4  }
0xb8: {  	v4 =	vperm.xlane v3, v0;
	_ =	sdelay $0x1  }
0xb9: {  	v3 =	vperm.xlane v3, v2;
	v4 =	vadd.s32 v1, v4;
	_ =	sdelay $0x1  }
0xba: {  	v3 =	vadd.s32 v1, v3;
	_ =	sdelay $0x2  }
0xbb: {  	[hbm4b:s3+s2] =	stream.indirect_vreg.scatter [tilespmem:s17], [sflag:$0x1], $0x80, v4, vm0, $0xb8;
	[tilespmem:$0x14180] =	vst v63  }
0xbc: {  	_ = 	snop  }
0xbd: {  	[hbm4b:s3+s2] =	stream.indirect_vreg.scatter [tilespmem:s18], [sflag:$0x1], $0x80, v3, vm0, $0xb8;
	[tilespmem:$0x14180] =	vst v63  }
0xbe: {  	v3 =	vld [tilespmem:$0xE0];
	_ =	sdelay $0x4  }
0xbf: {  	v58 =	vshll.u32 v3, $0x1  }
0xc0: {  	v3 =	vand.u32 $0x7, v3;
	v4 =	vand.u32 $0xFFFFFFF0, v58  }
0xc1: {  	v3 =	vor.u32 v3, v4  }
0xc2: {  	v4 =	vperm.xlane v3, v0;
	_ =	sdelay $0x1  }
0xc3: {  	v3 =	vperm.xlane v3, v2;
	v4 =	vadd.s32 v1, v4;
	_ =	sdelay $0x1  }
0xc4: {  	v3 =	vadd.s32 v1, v3;
	_ =	sdelay $0x2  }
0xc5: {  	[hbm4b:s3+s2] =	stream.indirect_vreg.scatter [tilespmem:s19], [sflag:$0x1], $0x80, v4, vm0, $0xb8;
	[tilespmem:$0x14180] =	vst v63  }
0xc6: {  	_ = 	snop  }
0xc7: {  	[hbm4b:s3+s2] =	stream.indirect_vreg.scatter [tilespmem:s20], [sflag:$0x1], $0x80, v3, vm0, $0xb8;
	[tilespmem:$0x14180] =	vst v63  }
0xc8: {  	v3 =	vld [tilespmem:$0xF0];
	_ =	sdelay $0x4  }
0xc9: {  	v59 =	vshll.u32 v3, $0x1  }
0xca: {  	v3 =	vand.u32 $0x7, v3;
	v4 =	vand.u32 $0xFFFFFFF0, v59  }
0xcb: {  	v3 =	vor.u32 v3, v4  }
0xcc: {  	v4 =	vperm.xlane v3, v0;
	_ =	sdelay $0x1  }
0xcd: {  	v3 =	vperm.xlane v3, v2;
	v4 =	vadd.s32 v1, v4;
	_ =	sdelay $0x1  }
0xce: {  	v3 =	vadd.s32 v1, v3;
	_ =	sdelay $0x2  }
0xcf: {  	[hbm4b:s3+s2] =	stream.indirect_vreg.scatter [tilespmem:s21], [sflag:$0x1], $0x80, v4, vm0, $0xb8;
	[tilespmem:$0x14180] =	vst v63  }
0xd0: {  	_ = 	snop  }
0xd1: {  	[hbm4b:s3+s2] =	stream.indirect_vreg.scatter [tilespmem:s22], [sflag:$0x1], $0x80, v3, vm0, $0xb8;
	[tilespmem:$0x14180] =	vst v63  }
0xd2: {  	v3 =	vld [tilespmem:$0x100];
	_ =	sdelay $0x4  }
0xd3: {  	v60 =	vshll.u32 v3, $0x1  }
0xd4: {  	v3 =	vand.u32 $0x7, v3;
	v4 =	vand.u32 $0xFFFFFFF0, v60  }
0xd5: {  	v3 =	vor.u32 v3, v4  }
0xd6: {  	v4 =	vperm.xlane v3, v0;
	_ =	sdelay $0x1  }
0xd7: {  	v3 =	vperm.xlane v3, v2;
	v4 =	vadd.s32 v1, v4;
	_ =	sdelay $0x1  }
0xd8: {  	v3 =	vadd.s32 v1, v3;
	_ =	sdelay $0x2  }
0xd9: {  	[hbm4b:s3+s2] =	stream.indirect_vreg.scatter [tilespmem:s23], [sflag:$0x1], $0x80, v4, vm0, $0xb8;
	[tilespmem:$0x14180] =	vst v63  }
0xda: {  	_ = 	snop  }
0xdb: {  	[hbm4b:s3+s2] =	stream.indirect_vreg.scatter [tilespmem:s24], [sflag:$0x1], $0x80, v3, vm0, $0xb8;
	[tilespmem:$0x14180] =	vst v63  }
0xdc: {  	v3 =	vld [tilespmem:$0x110];
	_ =	sdelay $0x4  }
0xdd: {  	v61 =	vshll.u32 v3, $0x1  }
0xde: {  	v3 =	vand.u32 $0x7, v3;
	v4 =	vand.u32 $0xFFFFFFF0, v61  }
0xdf: {  	v3 =	vor.u32 v3, v4  }
0xe0: {  	v4 =	vperm.xlane v3, v0;
	_ =	sdelay $0x1  }
0xe1: {  	v3 =	vperm.xlane v3, v2;
	v4 =	vadd.s32 v1, v4;
	_ =	sdelay $0x1  }
0xe2: {  	v3 =	vadd.s32 v1, v3;
	_ =	sdelay $0x2  }
0xe3: {  	[hbm4b:s3+s2] =	stream.indirect_vreg.scatter [tilespmem:s25], [sflag:$0x1], $0x80, v4, vm0, $0xb8;
	[tilespmem:$0x14180] =	vst v63  }
0xe4: {  	_ = 	snop  }
0xe5: {  	[hbm4b:s3+s2] =	stream.indirect_vreg.scatter [tilespmem:s26], [sflag:$0x1], $0x80, v3, vm0, $0xb8;
	[tilespmem:$0x14180] =	vst v63  }
0xe6: {  	v3 =	vld [tilespmem:$0x120];
	_ =	sdelay $0x4  }
0xe7: {  	v62 =	vshll.u32 v3, $0x1  }
0xe8: {  	v3 =	vand.u32 $0x7, v3;
	v4 =	vand.u32 $0xFFFFFFF0, v62  }
0xe9: {  	v3 =	vor.u32 v3, v4  }
0xea: {  	v4 =	vperm.xlane v3, v0;
	_ =	sdelay $0x1  }
0xeb: {  	v3 =	vperm.xlane v3, v2;
	v4 =	vadd.s32 v1, v4;
	_ =	sdelay $0x1  }
0xec: {  	v3 =	vadd.s32 v1, v3;
	_ =	sdelay $0x2  }
0xed: {  	[hbm4b:s3+s2] =	stream.indirect_vreg.scatter [tilespmem:s28], [sflag:$0x1], $0x80, v4, vm0, $0xb8;
	[tilespmem:$0x14180] =	vst v63  }
0xee: {  	_ = 	snop  }
0xef: {  	[hbm4b:s3+s2] =	stream.indirect_vreg.scatter [tilespmem:s29], [sflag:$0x1], $0x80, v3, vm0, $0xb8;
	[tilespmem:$0x14180] =	vst v63  }
0xf0: {  	v3 =	vld [tilespmem:$0x130];
	_ =	sdelay $0x4  }
0xf1: {  	v63 =	vshll.u32 v3, $0x1  }
0xf2: {  	v3 =	vand.u32 $0x7, v3;
	v4 =	vand.u32 $0xFFFFFFF0, v63  }
0xf3: {  	v3 =	vor.u32 v3, v4  }
0xf4: {  	v4 =	vperm.xlane v3, v0;
	_ =	sdelay $0x1  }
0xf5: {  	v3 =	vperm.xlane v3, v2;
	v4 =	vadd.s32 v1, v4;
	_ =	sdelay $0x1  }
0xf6: {  	v3 =	vadd.s32 v1, v3;
	_ =	sdelay $0x1  }
0xf7: {  	p0 =	sne.s32 s4, $0x1  }
0xf8: {  	[hbm4b:s3+s2] =	stream.indirect_vreg.scatter [tilespmem:s30], [sflag:$0x1], $0x80, v4, vm0, $0xb8;
	[tilespmem:$0x14180] =	vst v63  }
.Ltmp0:
0xf9: {  	_ = 	snop;
	(pc) =	sbr.rel @p0 .LBB2_1-.Ltmp0, $4  }
0xfa: {  	[hbm4b:s3+s2] =	stream.indirect_vreg.scatter [tilespmem:s31], [sflag:$0x1], $0x80, v3, vm0, $0xb8;
	[tilespmem:$0x14180] =	vst v63  }
0xfb: {  	_ =	swait.ge [sflag:s1], $0x14000  }
0xfc: {  	[sflag:s1] =	ssyncset.done $0x0  }
0xfd: {  	s4 =	sadd.s32 $0xFFFFFFFF, s4;
	[sflag:s1] =	ssyncadd.s32 $0xFFFEC000  }
0xfe: {  	_ =	sfence.sel $0x180000  }
0xff: {  	[bflag:$0x0] =	sbarrier.arrive $0xFFFF  }
0x100: {  	_ =	strace $0x9000004A  }
0x101: {  	s0 =	stileid.u32;
	[bflag:$0x2] =	sbarrier.arrive $0xFFFF  }
0x102: {  	p0 =	sne.s32 s0, $0x0;
	s0 =	rddreg [dreg:$0x2]  }
0x103: {  	s0 =	sadd.s32 @!p0 $0x100000, s0  }
0x104: {  	[sflag:s0] =	ssyncadd.tile.s32 @!p0 $0x1;
	_ =	shalt  }
.Lfunc_end2:
_tile_overlayer_lowered:
.L_overlay_start_2:
0x105: {  	(tag) =	ssettag $0x2  }
0x106: {  	s0 =	rddreg [dreg:$0x0];
	s2 =	stileid.u32  }
0x107: {  	s1 =	rddreg [dreg:$0x1];
	p0 =	sne.s32 s2, $0x0  }
0x108: {  	s3 =	rddreg [dreg:$0x2];
	[bflag:$0x3] =	sbarrier.arrive $0xFFFF;
	s2 =	simm.s32 @!p0 $0x1C02  }
0x109: {  	[timem:s3], [sflag:s2] =	dma.local @!p0 [hbm:s0], s1  }
0x10a: {  	s0 =	simm.s32 @!p0 $0x2  }
0x10b: {  	_ =	swait.ge @!p0 [sflag:s0], s1  }
0x10c: {  	s1 =	ssub.s32 @!p0 $0x0, s1;
	[sflag:s0] =	ssyncset.done @!p0 $0x0  }
0x10d: {  	[sflag:s0] =	ssyncadd.s32 @!p0 s1  }
0x10e: {  	[bflag:$0x3] =	sbarrier.arrive $0xFFFF  }
0x10f: {  	_ =	shalt  }

// kernel: scatter_offload_async_start
scs
__scs_entry_jumppad:
0x0: {  	(pc) =	sbr.rel $0x88, $3  }
0x1: {  	(tag) =	ssettag $0x0;
	lr =	simm.s32 $0x1  }
0x2: {  	[smem:$0x3F9C] =	sst lr;
	_ =	strace $0xD0000000  }
0x3: {  	_ = 	snop  }
0x4: {  	_ = 	snop  }
0x5: {  	_ = 	snop  }
0x6: {  	_ = 	snop  }
0x7: {  	_ = 	snop  }
__scs_overlays_trampoline_lowered:
0x8: {  	[smem:$0x3FAB] =	sst s0  }
0x9: {  	[smem:$0x3FAC] =	sst s1  }
0xa: {  	[smem:$0x3FAD] =	sst s2  }
0xb: {  	[smem:$0x3FAE] =	sst s3  }
0xc: {  	[smem:$0x3FAF] =	sst s4  }
0xd: {  	[smem:$0x3FB0] =	sst s5  }
0xe: {  	[smem:$0x3FB1] =	sst s6  }
0xf: {  	[smem:$0x3FB2] =	sst s7  }
0x10: {  	[smem:$0x3FB3] =	sst s8  }
0x11: {  	[smem:$0x3FB4] =	sst s9;
	s0 =	simm.s32 @!p0 $0x0  }
0x12: {  	s1 =	sld [smem:$0x3F9A];
	s0 =	simm.s32 @p0 $0x1  }
0x13: {  	[smem:$0x3FB5] =	sst s0;
	s0 =	simm.s32 @!p1 $0x0  }
0x14: {  	s2 =	sld [smem:$0x3F99];
	s0 =	simm.s32 @p1 $0x1  }
0x15: {  	[smem:$0x3FB6] =	sst s0;
	s0 =	simm.s32 @!p2 $0x0  }
0x16: {  	s3 =	sld [smem:$0x3FDB];
	s0 =	simm.s32 @p2 $0x1  }
0x17: {  	s4 =	simm.s32 $0x1BF5;
	[smem:$0x3FB8] =	sst s0  }
0x18: {  	s0 =	sld [smem:$0x3F9B];
	_ =	swait.ge [sflag:s4], $0x0  }
0x19: {  	s7 =	sld [smem:$0x3F9C]  }
0x1a: {  	s8 =	sadd.s32 $0xFFFFE003, lr  }
0x1b: {  	s9 =	sadd.s32 $0xFFFFFEF7, lr;
	s5 =	simm.s32 $0xFFFFFFFF;
	p2 =	slt.u32 s8, $0xFFFFF086  }
0x1c: {  	p1 =	slt.u32 s9, $0xF7A;
	s5 =	simm.s32 @!p2 $0x0  }
0x1d: {  	s5 =	simm.s32 @p1 $0x1;
	p0 =	seq.s32 s7, s2  }
0x1e: {  	s7 =	smul.u32 @!p0 $0xF7A, s2;
	p2 =	seq.s32 @!p0 s5, $0x0  }
0x1f: {  	s9 =	smul.u32 $0xF7A, s1;
	s8 =	simm.s32 @!p0 $0x1BF5;
	p2 =	por !p2, p0  }
0x20: {  	[sflag:s8] =	ssyncset.s32 @!p0 $0xFFFFF086;
	s6 =	sadd.s32 @!p0 s3, s7;
	s7 =	simm.s32 @!p0 $0x108  }
0x21: {  	s3 =	sadd.s32 s3, s9;
	s6 =	sadd.s32 @!p0 $0x88, s6;
	s7 =	simm.s32 @p2 $0x1082  }
0x22: {  	[simem:s7], [sflag:s8] =	dma.local @!p0 [hbm:s6], $0xF7A  }
0x23: {  	s9 =	sor.u32 $0xD0000000, s2;
	s6 =	simm.s32 $0x108;
	_ =	swait.ge @!p0 [sflag:s8], $0x0  }
0x24: {  	s3 =	sadd.s32 $0x88, s3;
	s6 =	simm.s32 @!p1 $0x1082;
	[sflag:s4] =	ssyncset.s32 $0xFFFFF086  }
0x25: {  	[simem:s6], [sflag:s4] =	dma.local [hbm:s3], $0xF7A  }
0x26: {  	[smem:$0x3F9C] =	sst s1;
	(tag) =	ssettag s2;
	_ =	strace s9  }
0x27: {  	s1 =	sld [smem:$0x3FAC]  }
0x28: {  	s2 =	sld [smem:$0x3FAD]  }
0x29: {  	s4 =	sld [smem:$0x3FAF]  }
0x2a: {  	p0 =	seq.s32 s5, $0x0;
	s5 =	sld [smem:$0x3FB0]  }
0x2b: {  	s6 =	sld [smem:$0x3FB1]  }
0x2c: {  	s7 =	sld [smem:$0x3FB2]  }
0x2d: {  	s3 =	simm.s32 $0x108;
	s8 =	sld [smem:$0x3FB3]  }
0x2e: {  	s3 =	simm.s32 @!p0 $0x1082;
	s9 =	sld [smem:$0x3FB4]  }
0x2f: {  	lr =	sadd.s32 s0, s3;
	s0 =	sld [smem:$0x3FAB]  }
0x30: {  	s3 =	sld [smem:$0x3FAE]  }
0x31: {  	[smem:$0x3FB7] =	sst s10  }
0x32: {  	s10 =	sld [smem:$0x3FB5];
	_ =	sdelay $0x3  }
0x33: {  	p0 =	seq.s32 s10, $0x1;
	s10 =	sld [smem:$0x3FB7];
	_ =	sdelay $0x3  }
0x34: {  	[smem:$0x3FB7] =	sst s10  }
0x35: {  	s10 =	sld [smem:$0x3FB6];
	_ =	sdelay $0x3  }
0x36: {  	p1 =	seq.s32 s10, $0x1;
	s10 =	sld [smem:$0x3FB7];
	_ =	sdelay $0x3  }
0x37: {  	[smem:$0x3FB7] =	sst s10  }
0x38: {  	s10 =	sld [smem:$0x3FB8]  }
0x39: {  	_ = 	snop;
	(pc) =	sbr.ind lr, $3  }
0x3a: {  	_ = 	snop  }
0x3b: {  	_ = 	snop  }
0x3c: {  	p2 =	seq.s32 s10, $0x1;
	s10 =	sld [smem:$0x3FB7]  }
0x3d: {  	_ =	shalt  }
0x3e: {  	_ =	shalt  }
0x3f: {  	_ =	shalt  }
0x40: {  	_ =	shalt  }
0x41: {  	_ =	shalt  }
0x42: {  	_ =	shalt  }
0x43: {  	_ =	shalt  }
0x44: {  	_ =	shalt  }
0x45: {  	_ =	shalt  }
0x46: {  	_ =	shalt  }
0x47: {  	_ =	shalt  }
0x48: {  	_ =	shalt  }
0x49: {  	_ =	shalt  }
0x4a: {  	_ =	shalt  }
0x4b: {  	_ =	shalt  }
0x4c: {  	_ =	shalt  }
0x4d: {  	_ =	shalt  }
0x4e: {  	_ =	shalt  }
0x4f: {  	_ =	shalt  }
0x50: {  	_ =	shalt  }
0x51: {  	_ =	shalt  }
0x52: {  	_ =	shalt  }
0x53: {  	_ =	shalt  }
0x54: {  	_ =	shalt  }
0x55: {  	_ =	shalt  }
0x56: {  	_ =	shalt  }
0x57: {  	_ =	shalt  }
0x58: {  	_ =	shalt  }
0x59: {  	_ =	shalt  }
0x5a: {  	_ =	shalt  }
0x5b: {  	_ =	shalt  }
0x5c: {  	_ =	shalt  }
0x5d: {  	_ =	shalt  }
0x5e: {  	_ =	shalt  }
0x5f: {  	_ =	shalt  }
0x60: {  	_ =	shalt  }
0x61: {  	_ =	shalt  }
0x62: {  	_ =	shalt  }
0x63: {  	_ =	shalt  }
0x64: {  	_ =	shalt  }
0x65: {  	_ =	shalt  }
0x66: {  	_ =	shalt  }
0x67: {  	_ =	shalt  }
0x68: {  	_ =	shalt  }
0x69: {  	_ =	shalt  }
0x6a: {  	_ =	shalt  }
0x6b: {  	_ =	shalt  }
0x6c: {  	_ =	shalt  }
0x6d: {  	_ =	shalt  }
0x6e: {  	_ =	shalt  }
0x6f: {  	_ =	shalt  }
0x70: {  	_ =	shalt  }
0x71: {  	_ =	shalt  }
0x72: {  	_ =	shalt  }
0x73: {  	_ =	shalt  }
0x74: {  	_ =	shalt  }
0x75: {  	_ =	shalt  }
0x76: {  	_ =	shalt  }
0x77: {  	_ =	shalt  }
0x78: {  	_ =	shalt  }
0x79: {  	_ =	shalt  }
0x7a: {  	_ =	shalt  }
0x7b: {  	_ =	shalt  }
0x7c: {  	_ =	shalt  }
0x7d: {  	_ =	shalt  }
0x7e: {  	_ =	shalt  }
0x7f: {  	_ =	shalt  }
0x80: {  	_ =	shalt  }
0x81: {  	_ =	shalt  }
0x82: {  	_ =	shalt  }
0x83: {  	_ =	shalt  }
0x84: {  	_ =	shalt  }
0x85: {  	_ =	shalt  }
0x86: {  	_ =	shalt  }
0x87: {  	_ =	shalt  }
.Lfunc_end0:
.L_simem_size_0:
called_computation_lowered:
.L_overlay_start_0:
0x88: {  	s2 =	sld [smem:$0x3FD9]  }
0x89: {  	s3 =	sld [smem:$0x3FFE];
	_ =	sdelay $0x1  }
0x8a: {  	s1 =	srdreg.scid  }
0x8b: {  	s0 =	sand.u32 $0x1, s1  }
0x8c: {  	s13 =	sshll.u32 s0, $0xA;
	s2 =	sadd.s32 s3, s2  }
0x8d: {  	s2 =	sadd.s32 s2, s13  }
0x8e: {  	[smem:$0x3FC3] =	sst s2  }
0x8f: {  	_ = 	snop  }
0x90: {  	s2 =	sld [smem:$0x3FD0];
	_ =	sdelay $0x2  }
0x91: {  	s14 =	simm.s32 $0xA;
	s4 =	simm.s32 $0x10  }
0x92: {  	[smem:s4], [sflag:s14] =	dma.local [hbm:s2], $0x1  }
0x93: {  	_ =	swait.eq [sflag:s14], $0x1  }
0x94: {  	[sflag:s14] =	ssyncset.done $0x0  }
0x95: {  	[sflag:s14] =	ssyncadd.s32 $0xFFFFFFFF  }
0x96: {  	s15 =	sld [smem:$0x10];
	(tm) =	ssettm $0x1  }
0x97: {  	s16 =	sld [smem:$0x3FFB];
	_ =	sdelay $0x3  }
0x98: {  	_ =	strace s16  }
0x99: {  	s3 =	sld [smem:$0x3FFC];
	_ =	sdelay $0x3  }
0x9a: {  	_ =	strace s3  }
0x9b: {  	s3 =	sld [smem:$0x3FFD];
	_ =	sdelay $0x3  }
0x9c: {  	_ =	strace s3  }
0x9d: {  	_ =	strace $0x8FFFFFFF  }
0x9e: {  	s17 =	sld [smem:$0x3FDB];
	_ =	sdelay $0x1  }
0x9f: {  	s18 =	simm.s32 $_scs_section_size  }
0xa0: {  	s5 =	simm.s32 $_size__tile_overlayer_lowered;
	s6 =	simm.s32 $_tile_overlayer_lowered  }
0xa1: {  	s21 =	simm.s32 $0x1BFF;
	s20 =	sshll.u32 s6, $0x1;
	s3 =	sadd.s32 s18, s17  }
0xa2: {  	s7 =	simm.s32 $0x0;
	s19 =	sshll.u32 s5, $0x1;
	s5 =	sadd.s32 s20, s3  }
0xa3: {  	[timem:s7], [sflag:s21] =	dma.local [hbm:s5], s19  }
0xa4: {  	_ =	swait.ge [sflag:s21], s19  }
0xa5: {  	s4 =	ssub.s32 $0x0, s19;
	[sflag:s21] =	ssyncset.done $0x0  }
0xa6: {  	[sflag:s21] =	ssyncadd.s32 s4;
	_ =	sdelay $0x1  }
0xa7: {  	s22 =	simm.s32 $0x1B8B  }
0xa8: {  	_ =	swait.ge [sflag:s22], $0x1  }
0xa9: {  	[sflag:s22] =	ssyncset.done $0x0  }
0xaa: {  	s23 =	sld [smem:$0x3FFE];
	[sflag:s22] =	ssyncadd.s32 $0xFFFFFFFF  }
0xab: {  	s25 =	simm.s32 $0x1B8E;
	s24 =	sld [smem:$0x0]  }
0xac: {  	s26 =	simm.s32 $execute0_lowered;
	[smem:$0x3FD2] =	sst s25  }
0xad: {  	s6 =	sshll.u32 s26, $0x1;
	_ =	strace $0x80000046;
	[dreg:$0x1] =	wrdreg $0xFFFFFFFF  }
0xae: {  	s28 =	simm.s32 $_size_execute0_lowered;
	s3 =	sadd.s32 s3, s6;
	[dreg:$0x0] =	wrdreg $0x0  }
0xaf: {  	s6 =	sshll.u32 s28, $0x1;
	[dreg:$0x2] =	wrdreg s3  }
0xb0: {  	[dreg:$0x3] =	wrdreg s6  }
0xb1: {  	[dreg:$0x4] =	wrdreg $0xC0  }
0xb2: {  	_ =	task [dreg:s7], $0x5FFFF  }
0xb3: {  	[dreg:$0x1] =	wrdreg $0xFFFFFFFF  }
0xb4: {  	[dreg:$0x0] =	wrdreg $0x60  }
0xb5: {  	[dreg:$0x2] =	wrdreg s23  }
0xb6: {  	[dreg:$0x3] =	wrdreg s15  }
0xb7: {  	[dreg:$0x4] =	wrdreg s1  }
0xb8: {  	[dreg:$0x5] =	wrdreg s24  }
0xb9: {  	[dreg:$0x6] =	wrdreg $0x9  }
0xba: {  	_ =	task.clear_ibuf [dreg:s7], $0x7FFFF;
	_ =	strace $0x90000046  }
0xbb: {  	s29 =	simm.s32 $0x9;
	_ =	strace $0x80000048  }
0xbc: {  	_ =	swait.ge [sflag:s29], $0x1  }
0xbd: {  	[sflag:s29] =	ssyncadd.s32 $0xFFFFFFFF  }
0xbe: {  	_ =	strace $0x90000048  }
0xbf: {  	_ =	sfence  }
0xc0: {  	s30 =	sld [smem:$0x0];
	_ =	sdelay $0x2  }
0xc1: {  	s31 =	sshll.u32 s1, $0xD;
	s1 =	sshrl.u32 s1, $0x2  }
0xc2: {  	s3 =	sand.u32 $0x4000, s31;
	s1 =	sadd.s32 s1, s30  }
0xc3: {  	s0 =	sor.u32 s3, s0;
	s1 =	sshll.u32 s1, $0x11  }
0xc4: {  	s0 =	sor.u32 s1, s0  }
0xc5: {  	s0 =	sadd.s32 $0x8F2B, s0  }
0xc6: {  	[sflag:s0] =	ssyncadd.remote.s32 $0x1  }
0xc7: {  	_ =	sfence.sel $0xFFFF  }
0xc8: {  	[dreg:$0x0] =	wrdreg $0xFFFFFFFF;
	(pc) =	sbr.abs _section_cstart, $3  }
0xc9: {  	[dreg:$0x1] =	wrdreg $0xFFFFFFFF  }
0xca: {  	_ =	task.clear_ibuf [dreg:s7], $0x2FFFF;
	_ =	strace $0x9FFFFFFF  }
0xcb: {  	(tm) =	ssettm $0x7FFFFFFF  }
tec
execute0_lowered:
.L_overlay_start_1:
0x0: {  	(tag) =	ssettag $0x1  }
0x1: {  	s4 =	rddreg [dreg:$0x0]  }
0x2: {  	s0 =	rddreg [dreg:$0x1]  }
0x3: {  	s2 =	rddreg [dreg:$0x2];
	_ =	strace $0x80000047;
	s1 =	simm.s32 $0x1  }
0x4: {  	s5 =	simm.s32 $0x208;
	v0 =	vimm.s32 $0x0;
	[sflag:s1] =	ssyncpa.u1 $0x0  }
0x5: {  	[tilespmem:s5+$0x70] =	vst v0  }
0x6: {  	[tilespmem:s5+$0x60] =	vst v0  }
0x7: {  	[tilespmem:s5+$0x50] =	vst v0  }
0x8: {  	[tilespmem:s5+$0x40] =	vst v0  }
0x9: {  	[tilespmem:s5+$0x30] =	vst v0  }
0xa: {  	s1 =	sadd.s32 $0x4E7000, s4;
	[tilespmem:s5+$0x20] =	vst v0  }
0xb: {  	s6 =	sadd.s32 $0x5000, s4;
	s10 =	sand.u32 $0x1, s2;
	s2 =	simm.s32 $0x40;
	[tilespmem:s5+$0x10] =	vst v0  }
.LBB2_1:
0xc: {  	s2 =	sadd.s32 $0x40, s2;
	[tilespmem:s5+$0x0] =	vst v0;
	s5 =	sadd.s32 $0x80, s5  }
0xd: {  	p0 =	slt.u32 s2, $0x3880;
	[tilespmem:s5+$0x70] =	vst v0  }
0xe: {  	[tilespmem:s5+$0x60] =	vst v0  }
.Ltmp0:
0xf: {  	[tilespmem:s5+$0x50] =	vst v0;
	(pc) =	sbr.rel @p0 .LBB2_1-.Ltmp0, $4  }
0x10: {  	[tilespmem:s5+$0x40] =	vst v0  }
0x11: {  	[tilespmem:s5+$0x30] =	vst v0  }
0x12: {  	[tilespmem:s5+$0x20] =	vst v0  }
0x13: {  	[tilespmem:s5+$0x10] =	vst v0  }
0x14: {  	s11 =	stileid.u32  }
0x15: {  	s2 =	smul.u32 $0x2C, s11  }
0x16: {  	s3 =	smin.u32 s11, $0xB  }
0x17: {  	s2 =	sadd.s32 s3, s2  }
0x18: {  	p0 =	slt.u32 s11, $0xB;
	s20 =	smul.u32 $0x70, s2;
	s2 =	simm.s32 $0x13B0  }
0x19: {  	s2 =	simm.s32 @!p0 $0x1340  }
0x1a: {  	s2 =	sadd.s32 s2, s20  }
0x1b: {  	s8 =	smin.u32 s2, $0x13880  }
0x1c: {  	s26 =	simm.s32 $0x2;
	s2 =	ssub.s32 s8, s20  }
0x1d: {  	s9 =	simm.s32 $0x9;
	s29 =	simm.s32 $0xA;
	p0 =	sgt.s32 s2, $0x0  }
0x1e: {  	s30 =	simm.s32 $0xB;
	s31 =	smul.u32 $0x2710, s10;
	s2 =	simm.s32 @!p0 $0x0  }
0x1f: {  	[dreg:$0x5] =	wrdreg s10;
	s12 =	simm.s32 $0x1;
	s25 =	smulhi.u32 $0x92492493, s2  }
0x20: {  	s24 =	simm.s32 $0x0;
	p1 =	por $0x0, $0x0;
	s18 =	simm.s32 $0x80  }
0x21: {  	s19 =	simm.s32 $0x400;
	s17 =	simm.s32 $0xC;
	s3 =	sshrl.u32 s25, $0x6  }
0x22: {  	s21 =	simm.s32 $0x0;
	s23 =	simm.s32 $0x0;
	s28 =	smul.u32 $0x70, s3  }
.Ltmp1:
0x23: {  	[tilespmem:s5+$0x0] =	vst v0;
	v0 =	vimm.s32 $0xFFFFFFFF;
	[sflag:s26] =	ssyncpa.u1 $0x0;
	s16 =	sshll.u32 s11, $0x9;
	(pc) =	sbr.rel .LBB2_3-.Ltmp1, $4  }
0x24: {  	[tilespmem:$0xE408] =	vst v0;
	[sflag:s9] =	ssyncpa.u1 $0x0;
	p0 =	sne.s32 s2, s28;
	s2 =	simm.s32 $0x1  }
0x25: {  	s14 =	sadd.s32 s31, s4;
	[sflag:s29] =	ssyncpa.u1 $0x0;
	s2 =	simm.s32 @!p0 $0x0  }
0x26: {  	s15 =	sadd.s32 s31, s0;
	[sflag:s30] =	ssyncpa.u1 $0x0;
	s13 =	sadd.s32 s2, s3  }
0x27: {  	v0 =	vlaneseq.u32;
	s22 =	smov.u32 s20;
	p0 =	por $0x1, $0x1;
	s11 =	sadd.s32 $0x1, s13  }
.LBB2_24:
0x28: {  	s2 =	sshrl.u32 s4, $0x2  }
.LBB2_26:
0x29: {  	_ =	swait.ge [sflag:s17], s2  }
0x2a: {  	s31 =	ssub.s32 $0x0, s2;
	v1 =	vmov s26;
	vm0 =	veq.s32 v0, $0x0;
	[sflag:s17] =	ssyncset.done $0x0  }
0x2b: {  	vm15 =	veq.s32 v0, $0x2;
	v1 =	vsel vm0, s0, v1;
	[sflag:s17] =	ssyncadd.s32 s31  }
0x2c: {  	v1 =	vsel vm15, s24, v1;
	[sflag:s17] =	ssyncpa.u1 $0x1  }
0x2d: {  	[tilespmem:$0xE408] =	vst v1  }
.LBB2_27:
0x2e: {  	s0 =	sadd.s32 $0x70, s22  }
0x2f: {  	s2 =	smov.u32 s20;
	p2 =	slt.s32 s0, s8  }
0x30: {  	s2 =	smov.u32 @p2 s0;
	p2 =	sne.s32 s23, s11  }
.Ltmp2:
0x31: {  	_ = 	snop;
	(pc) =	sbr.rel @!p2 .LBB2_28-.Ltmp2, $4  }
0x32: {  	_ = 	snop  }
0x33: {  	s24 =	smov.u32 s21  }
0x34: {  	s31 =	sadd.s32 $0x1, s23;
	s21 =	smov.u32 s22;
	p0 =	por !p0, !p0  }
0x35: {  	p1 =	por !p1, !p1;
	s23 =	smov.u32 s31;
	s22 =	smov.u32 s2  }
.LBB2_3:
0x36: {  	p2 =	sge.u32 s23, s13  }
0x37: {  	s0 =	smulhi.u32 @!p2 $0xAAAAAAAB, s23  }
0x38: {  	s2 =	smov.u32 s22;
	p3 =	sgt.s32 @!p2 s22, $0x13810  }
0x39: {  	s3 =	sshra.s32 @!p2 s22, $0x1F;
	p3 =	por !p3, p2;
	s0 =	sshrl.u32 @!p2 s0, $0x1  }
0x3a: {  	s3 =	sand.u32 @!p2 s3, s22;
	s2 =	simm.s32 @p3 $0x13810;
	s0 =	smul.u32 @!p2 $0x3, s0  }
0x3b: {  	s2 =	ssub.s32 @!p2 s2, s3  }
0x3c: {  	s2 =	sadd.s32 @!p2 $0xFFFEC7F0, s2;
	s0 =	ssub.s32 @!p2 s23, s0  }
0x3d: {  	s3 =	sshll.u32 @!p2 s2, $0x2;
	p3 =	sgt.s32 @!p2 s2, $0x6F;
	s0 =	smul.u32 @!p2 $0x1C0, s0  }
0x3e: {  	s4 =	sand.u32 @!p2 $0x7, s22;
	s2 =	ssub.s32 @!p2 $0x1C0, s3;
	p3 =	por !p3, p2  }
0x3f: {  	s3 =	sshrl.u32 @!p2 s22, $0x3;
	s2 =	sshrl.u32 @!p2 s2, $0x2;
	s0 =	sshrl.u32 @!p2 s0, $0x2  }
0x40: {  	s3 =	sadd.s32 @!p2 s3, s14;
	s2 =	simm.s32 @!p3 $0x0;
	s0 =	sadd.s32 @!p2 $0x10448, s0  }
0x41: {  	[tilespmem:s0], [sflag:$0xA] =	stream.linear.gather @!p2 [hbm4b:s3+s4], s2, $0x38;
	[tilespmem:$0x1E678] =	vst v63  }
0x42: {  	s2 =	sadd.s32 $0xFFFFFFFF, s23  }
0x43: {  	p2 =	sge.u32 s2, s13  }
0x44: {  	p3 =	sgt.s32 @!p2 s21, $0x13810  }
0x45: {  	s0 =	smov.u32 s21;
	s3 =	sshra.s32 @!p2 s21, $0x1F;
	p3 =	por !p3, p2  }
0x46: {  	s3 =	sand.u32 @!p2 s3, s21;
	s0 =	simm.s32 @p3 $0x13810  }
0x47: {  	s0 =	ssub.s32 @!p2 s0, s3  }
0x48: {  	s0 =	sadd.s32 @!p2 $0xFFFEC7F0, s0  }
0x49: {  	s3 =	sshll.u32 @!p2 s0, $0x2  }
0x4a: {  	p3 =	sgt.s32 @!p2 s0, $0x6F;
	s0 =	ssub.s32 @!p2 $0x1C0, s3  }
0x4b: {  	p3 =	por !p3, p2;
	s0 =	sshrl.u32 @!p2 s0, $0x2  }
0x4c: {  	s4 =	simm.s32 @!p2 $0xA;
	s3 =	sand.u32 @!p2 $0x1, s2;
	s0 =	simm.s32 @!p3 $0x0  }
0x4d: {  	s3 =	smul.u32 @!p2 $0x1C0, s3;
	_ =	swait.ge @!p2 [sflag:s4], s0  }
0x4e: {  	s5 =	ssub.s32 @!p2 $0x0, s0;
	[sflag:s4] =	ssyncset.done @!p2 $0x0  }
0x4f: {  	s3 =	sshrl.u32 @!p2 s3, $0x2;
	[sflag:s4] =	ssyncadd.s32 @!p2 s5;
	s4 =	sshrl.u32 @!p2 s21, $0x3  }
0x50: {  	s3 =	sadd.s32 @!p2 $0x10598, s3;
	s5 =	sand.u32 @!p2 $0x7, s21;
	s4 =	sadd.s32 @!p2 s4, s15  }
0x51: {  	[tilespmem:s3], [sflag:$0xB] =	stream.linear.gather @!p2 [hbm4b:s4+s5], s0, $0x38;
	[tilespmem:$0x1E678] =	vst v63  }
0x52: {  	s0 =	ssub.s32 @!p2 $0x13880, s21  }
0x53: {  	p3 =	slt.s32 @!p2 s0, $0x1  }
0x54: {  	p3 =	por p2, p3  }
.Ltmp3:
0x55: {  	_ = 	snop;
	(pc) =	sbr.rel @p3 .LBB2_9-.Ltmp3, $1  }
0x56: {  	_ =	sdelay $0x3  }
0x57: {  	s3 =	smulhi.u32 $0xAAAAAAAB, s2;
	_ =	sdelay $0x1  }
0x58: {  	s3 =	sshrl.u32 s3, $0x1  }
0x59: {  	s3 =	smul.u32 $0x3, s3;
	_ =	sdelay $0x1  }
0x5a: {  	s30 =	ssub.s32 s2, s3  }
0x5b: {  	s4 =	simm.s32 $0x1;
	s2 =	smul.u32 $0x1C0, s30  }
.Ltmp4:
0x5c: {  	s4 =	simm.s32 @!p0 $0x0;
	(pc) =	sbr.rel .LBB2_6-.Ltmp4, $4  }
0x5d: {  	s31 =	smul.u32 $0x1C000, s4  }
0x5e: {  	p3 =	slt.s32 @!p2 s0, $0x70;
	s2 =	sshrl.u32 s2, $0x2  }
0x5f: {  	p2 =	por !p3, p2;
	s3 =	sshrl.u32 s31, $0x2;
	s5 =	sadd.s32 $0x10448, s2  }
0x60: {  	s0 =	simm.s32 @p2 $0x70;
	s4 =	sor.u32 $0x10678, s3;
	s2 =	simm.s32 $0x0;
	v1 =	vmov s5  }
.LBB2_5:
0x61: {  	p2 =	sge.s32 s2, s0  }
.Ltmp5:
0x62: {  	_ = 	snop;
	(pc) =	sbr.rel @p2 .LBB2_9-.Ltmp5, $2  }
0x63: {  	_ =	sdelay $0x2  }
0x64: {  	s4 =	sadd.s32 $0x1000, s4  }
.LBB2_6:
0x65: {  	p2 =	sle.s32 s0, s2  }
.Ltmp6:
0x66: {  	_ = 	snop;
	(pc) =	sbr.rel @p2 .LBB2_5-.Ltmp6, $2  }
0x67: {  	_ =	sdelay $0x2  }
0x68: {  	s5 =	smov.u32 s2;
	s2 =	sadd.s32 $0x10, s2  }
0x69: {  	s3 =	ssub.s32 s0, s5  }
0x6a: {  	p2 =	slt.s32 s3, $0x10  }
0x6b: {  	s3 =	simm.s32 @!p2 $0x10  }
0x6c: {  	v2 =	vmov s3  }
0x6d: {  	vm0 =	vgt.s32 v2, v0;
	_ =	sdelay $0x5  }
0x6e: {  	v2 =	vld.idx.msk [tilespmem:v1+s5+$0x0 ss:$0x1], vm0;
	_ =	sdelay $0x2  }
0x6f: {  	p2 =	slt.s32 s2, s0;
	s3 =	smov.u32 s0  }
0x70: {  	s9 =	smov.u32 s4;
	s25 =	simm.s32 $0x0;
	s3 =	smov.u32 @p2 s2  }
.LBB2_8:
0x71: {  	(v2sf) =	vpush v2, s25;
	_ =	sdelay $0xe  }
0x72: {  	s25 =	sadd.s32 $0x1, s25;
	s10 =	spop (v2sf)  }
0x73: {  	s31 =	sadd.s32 s25, s5;
	s26 =	sshll.u32 s10, $0x8;
	s10 =	sshll.u32 s10, $0x7  }
0x74: {  	p2 =	slt.s32 s31, s3;
	s26 =	sand.u32 $0xFFFFF800, s26;
	s10 =	sand.u32 $0x380, s10  }
.Ltmp7:
0x75: {  	s10 =	sor.u32 s10, s26;
	(pc) =	sbr.rel @p2 .LBB2_8-.Ltmp7, $4  }
0x76: {  	s10 =	sshrl.u32 s10, $0x3  }
0x77: {  	s10 =	sadd.s32 s6, s10  }
0x78: {  	[tilespmem:s9], [sflag:$0x9] =	stream.strided.gather [hbm4b:s10+s18], $0x100, s19, s18, $0x38;
	[tilespmem:$0x1E678] =	vst v63  }
0x79: {  	s9 =	sadd.s32 $0x100, s9  }
.Ltmp8:
0x7a: {  	_ = 	snop;
	(pc) =	sbr.rel .LBB2_5-.Ltmp8, $1  }
0x7b: {  	_ =	sdelay $0x3  }
.LBB2_9:
0x7c: {  	p2 =	slt.u32 s23, $0x2  }
.Ltmp9:
0x7d: {  	_ = 	snop;
	(pc) =	sbr.rel @p2 .LBB2_27-.Ltmp9, $1  }
0x7e: {  	_ =	sdelay $0x3  }
0x7f: {  	p2 =	sgt.s32 s24, $0x13810  }
0x80: {  	s0 =	smov.u32 s24;
	s2 =	sshra.s32 s24, $0x1F;
	s3 =	ssub.s32 $0x13880, s24  }
0x81: {  	s0 =	simm.s32 @!p2 $0x13810;
	s2 =	sand.u32 s2, s24;
	p2 =	slt.s32 s3, $0x70  }
0x82: {  	s0 =	ssub.s32 s0, s2;
	s3 =	simm.s32 @!p2 $0x70  }
0x83: {  	s0 =	sadd.s32 $0xFFFEC7F0, s0;
	s9 =	sshll.u32 s3, $0x8  }
0x84: {  	s26 =	simm.s32 $0x9;
	s10 =	sshll.u32 s0, $0x2;
	s2 =	sand.u32 $0x3FFFFF00, s9  }
0x85: {  	p2 =	sgt.s32 s0, $0x6F;
	s25 =	ssub.s32 $0x1C0, s10;
	_ =	swait.ge [sflag:s26], s2  }
0x86: {  	s2 =	ssub.s32 $0x0, s2;
	[sflag:s26] =	ssyncset.done $0x0;
	s0 =	sshrl.u32 s25, $0x2  }
0x87: {  	s29 =	simm.s32 $0xB;
	[sflag:s26] =	ssyncadd.s32 s2;
	s0 =	simm.s32 @p2 $0x0  }
0x88: {  	_ =	swait.ge [sflag:s29], s0  }
0x89: {  	s0 =	ssub.s32 $0x0, s0;
	[sflag:s29] =	ssyncset.done $0x0  }
0x8a: {  	[sflag:s29] =	ssyncadd.s32 s0  }
0x8b: {  	v1 =	vld [tilespmem:$0xE408];
	_ =	sdelay $0x4  }
0x8c: {  	(v2sf) =	vpush v1, $0x0  }
0x8d: {  	(v2sf) =	vpush v1, $0x1  }
0x8e: {  	(v2sf) =	vpush v1, $0x2;
	_ =	sdelay $0x3  }
0x8f: {  	s0 =	sadd.s32 $0x70, s24  }
0x90: {  	s2 =	ssub.s32 $0x27100, s24;
	p2 =	slt.s32 s8, s0  }
0x91: {  	s0 =	smov.u32 @p2 s8;
	p2 =	sgt.s32 s2, $0x0  }
0x92: {  	s0 =	ssub.s32 s0, s24;
	s2 =	simm.s32 @!p2 $0x0  }
0x93: {  	p2 =	slt.s32 s2, s0  }
0x94: {  	s0 =	smov.u32 @p2 s2  }
0x95: {  	s4 =	simm.s32 $0x1;
	p2 =	slt.s32 s0, $0x1  }
.Ltmp10:
0x96: {  	s4 =	simm.s32 @!p1 $0x0;
	(pc) =	sbr.rel @p2 .LBB2_14-.Ltmp10, $4  }
0x97: {  	s30 =	smul.u32 $0x1C0, s4  }
0x98: {  	s5 =	spop (v2sf)  }
0x99: {  	s31 =	sshrl.u32 s30, $0x2;
	s28 =	spop (v2sf)  }
0x9a: {  	s25 =	sadd.s32 $0x10598, s31;
	s24 =	spop (v2sf)  }
0x9b: {  	s2 =	smin.u32 s0, $0x10  }
0x9c: {  	v1 =	vmov s2  }
0x9d: {  	vm1 =	vgt.u32 v1, v0  }
0x9e: {  	p3 =	sgt.s32 s0, $0x10  }
.Ltmp11:
0x9f: {  	_ = 	snop;
	(pc) =	sbr.rel @!p3 .LBB2_13-.Ltmp11, $2  }
0xa0: {  	_ =	sdelay $0x2  }
0xa1: {  	s26 =	simm.s32 $0x10;
	s29 =	sadd.s32 $0xFFFFFFF0, s0;
	s2 =	smov.u32 s25;
	vm0 =	vmmov vm1;
	v1 =	vld.msk [tilespmem:s25+$0x0 ss:$0x1], vm1  }
.LBB2_12:
0xa2: {  	s3 =	smin.u32 s29, $0x10;
	s26 =	sadd.s32 $0x10, s26  }
0xa3: {  	v2 =	vmov s3;
	p3 =	slt.s32 s26, s0  }
0xa4: {  	vm1 =	vgt.u32 v2, v0;
	_ =	sdelay $0x1  }
0xa5: {  	v2 =	vshll.u32 v1, $0x5;
	v1 =	vshll.u32 v1, $0x4  }
.Ltmp12:
0xa6: {  	v2 =	vand.u32 $0xFFFFFF00, v2;
	v1 =	vand.u32 $0x70, v1;
	(pc) =	sbr.rel @p3 .LBB2_12-.Ltmp12, $4  }
0xa7: {  	v1 =	vor.u32 v1, v2  }
0xa8: {  	[tilespmem:s2+$0x0] =	vst.msk vm0, v1;
	s2 =	sadd.s32 $0x10, s2;
	vm0 =	vmmov vm1  }
0xa9: {  	v1 =	vld.msk [tilespmem:s2+$0x0 ss:$0x1], vm1  }
0xaa: {  	s29 =	sadd.s32 $0xFFFFFFF0, s29  }
.LBB2_13:
0xab: {  	_ =	sdelay $0x3  }
0xac: {  	v2 =	vshll.u32 v1, $0x5;
	v1 =	vshll.u32 v1, $0x4  }
0xad: {  	v2 =	vand.u32 $0xFFFFFF00, v2;
	v1 =	vand.u32 $0x70, v1  }
0xae: {  	v1 =	vor.u32 v1, v2  }
0xaf: {  	[tilespmem:s2+$0x0] =	vst.msk vm0, v1  }
.LBB2_14:
0xb0: {  	s2 =	sand.u32 $0x1, s23  }
0xb1: {  	s2 =	smul.u32 $0x70, s2  }
0xb2: {  	p3 =	sne.s32 s28, $0xFFFFFFFF  }
0xb3: {  	v1 =	vld.msk @!p3 [tilespmem:s2+$0x10598], $0x1;
	_ =	sdelay $0x4  }
0xb4: {  	(v2sf) =	vpush @!p3 v1, $0x0;
	_ =	sdelay $0xc  }
.Ltmp13:
0xb5: {  	_ = 	snop;
	(pc) =	sbr.rel @p2 .LBB2_25-.Ltmp13, $4  }
0xb6: {  	_ = 	snop  }
0xb7: {  	s31 =	spop @!p3 (v2sf)  }
0xb8: {  	s24 =	simm.s32 @!p3 $0x0;
	s26 =	smov.u32 s31  }
0xb9: {  	[sflag:s17] =	ssyncpa.u1 $0x0;
	s31 =	smov.u32 @p3 s5;
	s26 =	smov.u32 @p3 s28  }
0xba: {  	v1 =	vld.msk [tilespmem:s25+$0x0], $0x1;
	_ =	sdelay $0x4  }
0xbb: {  	(v2sf) =	vpush v1, $0x0;
	_ =	sdelay $0xe  }
0xbc: {  	s7 =	smov.u32 s11;
	s5 =	spop (v2sf)  }
0xbd: {  	s17 =	smov.u32 s15;
	s2 =	smul.u32 $0x1C000, s4;
	p2 =	seq.s32 s31, s5  }
0xbe: {  	s3 =	smov.u32 s31;
	s29 =	ssub.s32 $0x0, s0;
	p3 =	sgt.s32 @!p2 s31, $0x0  }
0xbf: {  	s30 =	simm.s32 $0x0;
	s2 =	sshrl.u32 s2, $0x2;
	p3 =	por !p3, p2  }
0xc0: {  	s0 =	sadd.s32 $0x1, s29;
	s28 =	sor.u32 $0x106F8, s2;
	s3 =	simm.s32 @p3 $0x0  }
0xc1: {  	s2 =	simm.s32 @!p2 $0x1;
	p3 =	seq.s32 s0, $0x0;
	s3 =	smin.u32 @!p2 s3, $0x4E170  }
.Ltmp14:
0xc2: {  	s4 =	simm.s32 @!p2 $0x7308;
	s9 =	sand.u32 @!p2 $0x7FFF8, s3;
	(pc) =	sbr.rel @p3 .LBB2_17-.Ltmp14, $4  }
0xc3: {  	s10 =	sadd.s32 @!p2 $0x80, s3;
	s11 =	sadd.s32 @!p2 s1, s9;
	s9 =	sand.u32 @!p2 $0x7, s3  }
0xc4: {  	[tilespmem:s4], [sflag:$0x2] =	stream.linear.gather @!p2 [hbm4b:s11+s9], $0x80, $0x38;
	[tilespmem:$0x1E678] =	vst v63  }
0xc5: {  	s15 =	smov.u32 s14;
	s2 =	smov.u32 @p2 s30;
	s4 =	sand.u32 @!p2 $0xFFFF8, s10  }
0xc6: {  	s3 =	simm.s32 @!p2 $0x7388;
	s10 =	sadd.s32 @!p2 s1, s4;
	s4 =	sadd.s32 $0x1, s25  }
.LBB2_16:
0xc7: {  	s11 =	smov.u32 s2  }
0xc8: {  	[tilespmem:s3], [sflag:$0x2] =	stream.linear.gather @!p2 [hbm4b:s10+s9], $0x80, $0x38;
	[tilespmem:$0x1E678] =	vst v63  }
0xc9: {  	s0 =	sadd.s32 $0x1, s0;
	s9 =	smov.u32 s5;
	v1 =	vld.msk [tilespmem:s4+$0x0], $0x1  }
0xca: {  	p3 =	seq.s32 s0, $0x0;
	_ =	sdelay $0x3  }
0xcb: {  	(v2sf) =	vpush v1, $0x0;
	_ =	sdelay $0xe  }
0xcc: {  	s5 =	spop (v2sf)  }
0xcd: {  	p2 =	seq.s32 s9, s5  }
0xce: {  	p4 =	sgt.s32 @!p2 s9, $0x0;
	s3 =	sshll.u32 @!p2 s2, $0xA;
	s2 =	sadd.s32 @!p2 $0x1, s2  }
0xcf: {  	p4 =	por !p4, p2;
	s3 =	sshra.s32 @!p2 s3, $0x2;
	s2 =	smov.u32 @p2 s11  }
0xd0: {  	s9 =	simm.s32 @p4 $0x0;
	s10 =	sadd.s32 @!p2 $0x7308, s3;
	s3 =	sadd.s32 @!p2 $0x7388, s3  }
.Ltmp15:
0xd1: {  	s9 =	smin.u32 @!p2 s9, $0x4E170;
	(pc) =	sbr.rel @!p3 .LBB2_16-.Ltmp15, $4  }
0xd2: {  	s11 =	sand.u32 @!p2 $0x7FFF8, s9;
	s14 =	sadd.s32 @!p2 $0x80, s9  }
0xd3: {  	s9 =	sand.u32 @!p2 $0x7, s9;
	s11 =	sadd.s32 @!p2 s1, s11;
	s14 =	sand.u32 @!p2 $0xFFFF8, s14  }
0xd4: {  	[tilespmem:s10], [sflag:$0x2] =	stream.linear.gather @!p2 [hbm4b:s11+s9], $0x80, $0x38;
	[tilespmem:$0x1E678] =	vst v63  }
0xd5: {  	s4 =	sadd.s32 $0x1, s4;
	s10 =	sadd.s32 @!p2 s1, s14  }
.LBB2_17:
0xd6: {  	[tilespmem:s3], [sflag:$0x2] =	stream.linear.gather @!p2 [hbm4b:s10+s9], $0x80, $0x38;
	[tilespmem:$0x1E678] =	vst v63  }
0xd7: {  	s0 =	sshll.u32 s2, $0x8  }
.Ltmp16:
0xd8: {  	s14 =	simm.s32 $0x2;
	s0 =	sand.u32 $0x3FFFFF00, s0;
	(pc) =	sbr.rel .LBB2_18-.Ltmp16, $4  }
0xd9: {  	_ =	swait.ge [sflag:s14], s0  }
0xda: {  	s0 =	ssub.s32 $0x0, s0;
	[sflag:s14] =	ssyncset.done $0x0  }
0xdb: {  	s4 =	simm.s32 $0x0;
	s11 =	smov.u32 s7;
	[sflag:s14] =	ssyncadd.s32 s0  }
0xdc: {  	s14 =	smov.u32 s15;
	s15 =	smov.u32 s17;
	s17 =	simm.s32 $0xC  }
.LBB2_19:
0xdd: {  	v1 =	vld [tilespmem:s28+$0xFFFFFF80];
	_ =	sdelay $0x4  }
0xde: {  	[tilespmem:s5+$0x208] =	vst.add.f32.msk $0xffff, v1  }
0xdf: {  	v1 =	vld [tilespmem:s28+$0xFFFFFF90];
	_ =	sdelay $0x4  }
0xe0: {  	[tilespmem:s5+$0x218] =	vst.add.f32.msk $0xffff, v1  }
0xe1: {  	v1 =	vld [tilespmem:s28+$0xFFFFFFA0];
	_ =	sdelay $0x4  }
0xe2: {  	[tilespmem:s5+$0x228] =	vst.add.f32.msk $0xffff, v1  }
0xe3: {  	v1 =	vld [tilespmem:s28+$0xFFFFFFB0];
	_ =	sdelay $0x4  }
0xe4: {  	[tilespmem:s5+$0x238] =	vst.add.f32.msk $0xffff, v1  }
0xe5: {  	v1 =	vld [tilespmem:s28+$0xFFFFFFC0];
	_ =	sdelay $0x4  }
0xe6: {  	[tilespmem:s5+$0x248] =	vst.add.f32.msk $0xffff, v1  }
0xe7: {  	v1 =	vld [tilespmem:s28+$0xFFFFFFD0];
	_ =	sdelay $0x4  }
0xe8: {  	[tilespmem:s5+$0x258] =	vst.add.f32.msk $0xffff, v1  }
0xe9: {  	v1 =	vld [tilespmem:s28+$0xFFFFFFE0];
	_ =	sdelay $0x4  }
0xea: {  	[tilespmem:s5+$0x268] =	vst.add.f32.msk $0xffff, v1  }
0xeb: {  	v1 =	vld [tilespmem:s28+$0xFFFFFFF0];
	_ =	sdelay $0x4  }
0xec: {  	[tilespmem:s5+$0x278] =	vst.add.f32.msk $0xffff, v1  }
0xed: {  	v1 =	vld [tilespmem:s28+$0x0];
	_ =	sdelay $0x4  }
0xee: {  	[tilespmem:s5+$0x288] =	vst.add.f32.msk $0xffff, v1  }
0xef: {  	v1 =	vld [tilespmem:s28+$0x10];
	_ =	sdelay $0x4  }
0xf0: {  	[tilespmem:s5+$0x298] =	vst.add.f32.msk $0xffff, v1  }
0xf1: {  	v1 =	vld [tilespmem:s28+$0x20];
	_ =	sdelay $0x4  }
0xf2: {  	[tilespmem:s5+$0x2A8] =	vst.add.f32.msk $0xffff, v1  }
0xf3: {  	v1 =	vld [tilespmem:s28+$0x30];
	_ =	sdelay $0x4  }
0xf4: {  	[tilespmem:s5+$0x2B8] =	vst.add.f32.msk $0xffff, v1  }
0xf5: {  	v1 =	vld [tilespmem:s28+$0x40];
	_ =	sdelay $0x4  }
0xf6: {  	[tilespmem:s5+$0x2C8] =	vst.add.f32.msk $0xffff, v1  }
0xf7: {  	v1 =	vld [tilespmem:s28+$0x50];
	_ =	sdelay $0x4  }
0xf8: {  	[tilespmem:s5+$0x2D8] =	vst.add.f32.msk $0xffff, v1  }
0xf9: {  	v1 =	vld [tilespmem:s28+$0x60];
	_ =	sdelay $0x4  }
0xfa: {  	[tilespmem:s5+$0x2E8] =	vst.add.f32.msk $0xffff, v1  }
0xfb: {  	v1 =	vld [tilespmem:s28+$0x70];
	_ =	sdelay $0x4  }
0xfc: {  	[tilespmem:s5+$0x2F8] =	vst.add.f32.msk $0xffff, v1  }
.LBB2_23:
0xfd: {  	s29 =	sadd.s32 $0x1, s29  }
0xfe: {  	p2 =	seq.s32 s29, $0x0  }
.Ltmp17:
0xff: {  	_ = 	snop;
	(pc) =	sbr.rel @p2 .LBB2_24-.Ltmp17, $2  }
0x100: {  	_ =	sdelay $0x2  }
0x101: {  	s25 =	sadd.s32 $0x1, s25;
	s28 =	sadd.s32 $0x100, s28;
	s31 =	smov.u32 s0  }
.LBB2_18:
0x102: {  	v1 =	vld.msk [tilespmem:s25+$0x0], $0x1;
	_ =	sdelay $0x4  }
0x103: {  	(v2sf) =	vpush v1, $0x0;
	_ =	sdelay $0xe  }
0x104: {  	s0 =	spop (v2sf)  }
0x105: {  	p2 =	sne.s32 s31, s0  }
.Ltmp18:
0x106: {  	_ = 	snop;
	(pc) =	sbr.rel @!p2 .LBB2_19-.Ltmp18, $3  }
0x107: {  	_ =	sdelay $0x1  }
0x108: {  	s2 =	sshll.u32 s24, $0xA  }
0x109: {  	s5 =	sshra.s32 s2, $0x2  }
0x10a: {  	p2 =	seq.s32 s31, s26  }
.Ltmp19:
0x10b: {  	_ = 	snop;
	(pc) =	sbr.rel @!p2 .LBB2_21-.Ltmp19, $1  }
0x10c: {  	_ =	sdelay $0x3  }
.Ltmp20:
0x10d: {  	s2 =	sadd.s32 $0x208, s5;
	(pc) =	sbr.rel .LBB2_22-.Ltmp20, $4  }
0x10e: {  	[spmem:s16] =	stream.linear.scatter [tilespmem:s2], [sflag:$0x1], $0x100, $0x38;
	[tilespmem:$0x1E678] =	vst v63  }
0x10f: {  	_ =	swait.ge [sflag:s12], $0x100  }
0x110: {  	[sflag:s12] =	ssyncset.done $0x0  }
0x111: {  	[sflag:s12] =	ssyncadd.s32 $0xFFFFFF00  }
.LBB2_21:
0x112: {  	s2 =	sshll.u32 s30, $0xA  }
0x113: {  	s2 =	sshra.s32 s2, $0x2  }
0x114: {  	v1 =	vld [tilespmem:s2+$0x7308];
	_ =	sdelay $0x4  }
0x115: {  	[tilespmem:s5+$0x208] =	vst.add.f32.msk $0xffff, v1  }
0x116: {  	v1 =	vld [tilespmem:s2+$0x7318];
	_ =	sdelay $0x4  }
0x117: {  	[tilespmem:s5+$0x218] =	vst.add.f32.msk $0xffff, v1  }
0x118: {  	v1 =	vld [tilespmem:s2+$0x7328];
	_ =	sdelay $0x4  }
0x119: {  	[tilespmem:s5+$0x228] =	vst.add.f32.msk $0xffff, v1  }
0x11a: {  	v1 =	vld [tilespmem:s2+$0x7338];
	_ =	sdelay $0x4  }
0x11b: {  	[tilespmem:s5+$0x238] =	vst.add.f32.msk $0xffff, v1  }
0x11c: {  	v1 =	vld [tilespmem:s2+$0x7348];
	_ =	sdelay $0x4  }
0x11d: {  	[tilespmem:s5+$0x248] =	vst.add.f32.msk $0xffff, v1  }
0x11e: {  	v1 =	vld [tilespmem:s2+$0x7358];
	_ =	sdelay $0x4  }
0x11f: {  	[tilespmem:s5+$0x258] =	vst.add.f32.msk $0xffff, v1  }
0x120: {  	v1 =	vld [tilespmem:s2+$0x7368];
	_ =	sdelay $0x4  }
0x121: {  	[tilespmem:s5+$0x268] =	vst.add.f32.msk $0xffff, v1  }
0x122: {  	v1 =	vld [tilespmem:s2+$0x7378];
	_ =	sdelay $0x4  }
0x123: {  	[tilespmem:s5+$0x278] =	vst.add.f32.msk $0xffff, v1  }
0x124: {  	v1 =	vld [tilespmem:s2+$0x7388];
	_ =	sdelay $0x4  }
0x125: {  	[tilespmem:s5+$0x288] =	vst.add.f32.msk $0xffff, v1  }
0x126: {  	v1 =	vld [tilespmem:s2+$0x7398];
	_ =	sdelay $0x4  }
0x127: {  	[tilespmem:s5+$0x298] =	vst.add.f32.msk $0xffff, v1  }
0x128: {  	v1 =	vld [tilespmem:s2+$0x73A8];
	_ =	sdelay $0x4  }
0x129: {  	[tilespmem:s5+$0x2A8] =	vst.add.f32.msk $0xffff, v1  }
0x12a: {  	v1 =	vld [tilespmem:s2+$0x73B8];
	_ =	sdelay $0x4  }
0x12b: {  	[tilespmem:s5+$0x2B8] =	vst.add.f32.msk $0xffff, v1  }
0x12c: {  	v1 =	vld [tilespmem:s2+$0x73C8];
	_ =	sdelay $0x4  }
0x12d: {  	[tilespmem:s5+$0x2C8] =	vst.add.f32.msk $0xffff, v1  }
0x12e: {  	v1 =	vld [tilespmem:s2+$0x73D8];
	_ =	sdelay $0x4  }
0x12f: {  	[tilespmem:s5+$0x2D8] =	vst.add.f32.msk $0xffff, v1  }
0x130: {  	v1 =	vld [tilespmem:s2+$0x73E8];
	_ =	sdelay $0x4  }
0x131: {  	[tilespmem:s5+$0x2E8] =	vst.add.f32.msk $0xffff, v1  }
0x132: {  	v1 =	vld [tilespmem:s2+$0x73F8];
	_ =	sdelay $0x2  }
0x133: {  	p2 =	sgt.u32 s31, $0x4E170  }
0x134: {  	s2 =	sand.u32 @!p2 $0x7FFF8, s31  }
0x135: {  	s3 =	sadd.s32 $0x208, s5;
	s9 =	sand.u32 @!p2 $0x7, s31;
	s2 =	sadd.s32 @!p2 s1, s2;
	[tilespmem:s5+$0x2F8] =	vst.add.f32.msk $0xffff, v1  }
0x136: {  	[hbm4b:s2+s9] =	stream.linear.scatter @!p2 [tilespmem:s3], [sflag:$0xC], $0x80, $0x38;
	[tilespmem:$0x1E678] =	vst v63  }
0x137: {  	s2 =	sadd.s32 @!p2 $0x80, s31  }
0x138: {  	s2 =	sand.u32 @!p2 $0xFFFF8, s2  }
0x139: {  	s3 =	sadd.s32 $0x288, s5;
	s2 =	sadd.s32 @!p2 s1, s2  }
0x13a: {  	[hbm4b:s2+s9] =	stream.linear.scatter @!p2 [tilespmem:s3], [sflag:$0xC], $0x80, $0x38;
	[tilespmem:$0x1E678] =	vst v63  }
0x13b: {  	s2 =	simm.s32 $0x0  }
0x13c: {  	s2 =	simm.s32 @!p2 $0x400  }
0x13d: {  	s4 =	sadd.s32 s2, s4  }
.LBB2_22:
0x13e: {  	s2 =	sadd.s32 $0x1, s24  }
0x13f: {  	s3 =	sshrl.u32 s2, $0x4  }
0x140: {  	s3 =	smulhi.u32 $0x24924925, s3  }
0x141: {  	v1 =	vld [tilespmem:s28+$0xFFFFFF80]  }
0x142: {  	s3 =	smul.u32 $0x70, s3;
	_ =	sdelay $0x1  }
0x143: {  	s24 =	ssub.s32 s2, s3  }
0x144: {  	s2 =	sshll.u32 s24, $0x8  }
0x145: {  	[tilespmem:s2+$0x208] =	vst v1  }
0x146: {  	v1 =	vld [tilespmem:s28+$0xFFFFFF90];
	_ =	sdelay $0x4  }
0x147: {  	[tilespmem:s2+$0x218] =	vst v1  }
0x148: {  	v1 =	vld [tilespmem:s28+$0xFFFFFFA0];
	_ =	sdelay $0x4  }
0x149: {  	[tilespmem:s2+$0x228] =	vst v1  }
0x14a: {  	v1 =	vld [tilespmem:s28+$0xFFFFFFB0];
	_ =	sdelay $0x4  }
0x14b: {  	[tilespmem:s2+$0x238] =	vst v1  }
0x14c: {  	v1 =	vld [tilespmem:s28+$0xFFFFFFC0];
	_ =	sdelay $0x4  }
0x14d: {  	[tilespmem:s2+$0x248] =	vst v1  }
0x14e: {  	v1 =	vld [tilespmem:s28+$0xFFFFFFD0];
	_ =	sdelay $0x4  }
0x14f: {  	[tilespmem:s2+$0x258] =	vst v1  }
0x150: {  	v1 =	vld [tilespmem:s28+$0xFFFFFFE0];
	_ =	sdelay $0x4  }
0x151: {  	[tilespmem:s2+$0x268] =	vst v1  }
0x152: {  	v1 =	vld [tilespmem:s28+$0xFFFFFFF0];
	_ =	sdelay $0x4  }
0x153: {  	[tilespmem:s2+$0x278] =	vst v1  }
0x154: {  	v1 =	vld [tilespmem:s28+$0x0];
	_ =	sdelay $0x4  }
0x155: {  	[tilespmem:s2+$0x288] =	vst v1  }
0x156: {  	v1 =	vld [tilespmem:s28+$0x10];
	_ =	sdelay $0x4  }
0x157: {  	[tilespmem:s2+$0x298] =	vst v1  }
0x158: {  	v1 =	vld [tilespmem:s28+$0x20];
	_ =	sdelay $0x4  }
0x159: {  	[tilespmem:s2+$0x2A8] =	vst v1  }
0x15a: {  	v1 =	vld [tilespmem:s28+$0x30];
	_ =	sdelay $0x4  }
0x15b: {  	[tilespmem:s2+$0x2B8] =	vst v1  }
0x15c: {  	v1 =	vld [tilespmem:s28+$0x40];
	_ =	sdelay $0x4  }
0x15d: {  	[tilespmem:s2+$0x2C8] =	vst v1  }
0x15e: {  	v1 =	vld [tilespmem:s28+$0x50];
	_ =	sdelay $0x4  }
0x15f: {  	[tilespmem:s2+$0x2D8] =	vst v1  }
0x160: {  	v1 =	vld [tilespmem:s28+$0x60];
	_ =	sdelay $0x4  }
0x161: {  	[tilespmem:s2+$0x2E8] =	vst v1  }
0x162: {  	v1 =	vld [tilespmem:s28+$0x70]  }
.Ltmp21:
0x163: {  	_ = 	snop;
	(pc) =	sbr.rel .LBB2_23-.Ltmp21, $2  }
0x164: {  	_ =	sdelay $0x2  }
0x165: {  	s30 =	sadd.s32 $0x1, s30;
	[tilespmem:s2+$0x2F8] =	vst v1  }
.LBB2_25:
.Ltmp22:
0x166: {  	(pc) =	sbr.rel .LBB2_26-.Ltmp22, $4  }
0x167: {  	_ = 	snop  }
0x168: {  	s0 =	simm.s32 $0x2  }
0x169: {  	_ =	swait.ge [sflag:s0], $0x0  }
0x16a: {  	s2 =	simm.s32 $0x0;
	[sflag:s0] =	ssyncset.done $0x0;
	s0 =	smov.u32 s31  }
.LBB2_28:
0x16b: {  	_ =	sfence.sel $0x180000  }
0x16c: {  	s0 =	simm.s32 $0x9;
	[bflag:$0x0] =	sbarrier.arrive $0xFFFF  }
0x16d: {  	s24 =	simm.s32 $0xA;
	[sflag:s0] =	ssyncpa.u1 $0x1  }
0x16e: {  	s25 =	simm.s32 $0xB;
	[sflag:s24] =	ssyncpa.u1 $0x1  }
0x16f: {  	s26 =	simm.s32 $0x2;
	[sflag:s25] =	ssyncpa.u1 $0x1  }
0x170: {  	[sflag:s26] =	ssyncpa.u1 $0x1  }
0x171: {  	v0 =	vld [tilespmem:$0xE408];
	_ =	sdelay $0x4  }
0x172: {  	(v2sf) =	vpush v0, $0x0  }
0x173: {  	(v2sf) =	vpush v0, $0x1;
	_ =	sdelay $0x1  }
0x174: {  	(v2sf) =	vpush v0, $0x2;
	_ =	sdelay $0xb  }
0x175: {  	s0 =	spop (v2sf)  }
0x176: {  	s2 =	spop (v2sf)  }
0x177: {  	s3 =	smov.u32 s0;
	p0 =	sne.s32 s0, s2  }
0x178: {  	s4 =	spop (v2sf);
	s3 =	simm.s32 @!p0 $0xFFFFFFFF  }
0x179: {  	v2 =	vimm.s32 $0x1;
	v3 =	vlaneseq.u32;
	p0 =	seq.s32 s4, $0xFFFFFFFF;
	v1 =	vmov s3  }
0x17a: {  	s15 =	stileid.u32;
	v0 =	vperm.xlane v0, v2;
	p1 =	sne.s32 @!p0 s0, s2;
	v1 =	vperm.xlane v1, v3  }
0x17b: {  	vm0 =	vcmask $0x3F04;
	s6 =	simm.s32 $0xE408;
	s0 =	simm.s32 @!p0 $0x1;
	p1 =	por !p1, p0  }
0x17c: {  	s3 =	sshll.u32 s15, $0x1;
	s2 =	sshll.u32 @!p0 s4, $0xA;
	s0 =	simm.s32 @p1 $0x0;
	v0 =	vsel vm0, v1, v0  }
0x17d: {  	s5 =	sor.u32 $0x2000, s3;
	s2 =	sshra.s32 @!p0 s2, $0x2;
	s0 =	sor.u32 @!p0 s0, s3;
	[tilespmem:$0xE408] =	vst v0  }
0x17e: {  	[spmem:s5] =	stream.linear.scatter [tilespmem:s6], [sflag:$0x1], $0x2, $0x38;
	[tilespmem:$0x1E678] =	vst v63  }
0x17f: {  	s2 =	sadd.s32 @!p0 $0x208, s2;
	s0 =	sshll.u32 @!p0 s0, $0x8  }
0x180: {  	[spmem:s0] =	stream.linear.scatter @!p0 [tilespmem:s2], [sflag:$0x1], $0x100, $0x38;
	[tilespmem:$0x1E678] =	vst v63  }
0x181: {  	s0 =	simm.s32 @!p0 $0x102  }
0x182: {  	s28 =	simm.s32 $0x1;
	s0 =	simm.s32 @p0 $0x2  }
0x183: {  	_ =	swait.ge [sflag:s28], s0  }
0x184: {  	s0 =	ssub.s32 $0x0, s0;
	[sflag:s28] =	ssyncset.done $0x0  }
0x185: {  	p0 =	sne.s32 s15, $0x0;
	[sflag:s28] =	ssyncadd.s32 s0  }
.Ltmp23:
0x186: {  	_ =	sfence.stream.spmem;
	(pc) =	sbr.rel @p0 .LBB2_45-.Ltmp23, $4  }
0x187: {  	s29 =	simm.s32 $0x3;
	[bflag:$0x0] =	sbarrier.arrive $0xFFFF  }
0x188: {  	s30 =	simm.s32 $0x4;
	[sflag:s29] =	ssyncpa.u1 $0x1  }
0x189: {  	s31 =	simm.s32 $0x3C;
	[sflag:s30] =	ssyncpa.u1 $0x1  }
0x18a: {  	s14 =	rddreg [dreg:$0x5];
	[sflag:s31] =	ssyncpa.u1 $0x1  }
0x18b: {  	_ =	sfence.stream.spmem;
	s0 =	simm.s32 $0x5  }
0x18c: {  	s2 =	simm.s32 $0x2000;
	s3 =	simm.s32 $0xE418;
	[sflag:s0] =	ssyncpa.u1 $0x0  }
0x18d: {  	[tilespmem:s3], [sflag:$0x5] =	stream.linear.gather [spmem:s2], $0x20, $0x38;
	[tilespmem:$0x1E678] =	vst v63  }
0x18e: {  	s26 =	simm.s32 $0x0;
	s28 =	simm.s32 $0xE438  }
0x18f: {  	[tilespmem:s28], [sflag:$0x5] =	stream.linear.gather [spmem:s26], $0x2000, $0x38;
	[tilespmem:$0x1E678] =	vst v63  }
0x190: {  	_ =	swait.ge [sflag:s0], $0x2020  }
0x191: {  	[sflag:s0] =	ssyncset.done $0x0  }
0x192: {  	s29 =	simm.s32 $0x0;
	[sflag:s0] =	ssyncadd.s32 $0xFFFFDFE0  }
0x193: {  	v0 =	vld.msk [tilespmem:s29+$0xE418], $0x1;
	_ =	sdelay $0x1  }
0x194: {  	s30 =	simm.s32 $0x1  }
0x195: {  	v1 =	vld.msk [tilespmem:s30+$0xE418], $0x1;
	_ =	sdelay $0x1  }
0x196: {  	(v2sf) =	vpush v0, $0x0;
	_ =	sdelay $0x2  }
0x197: {  	(v2sf) =	vpush v1, $0x0;
	_ =	sdelay $0x2  }
0x198: {  	s31 =	simm.s32 $0x2  }
0x199: {  	v0 =	vld.msk [tilespmem:s31+$0xE418], $0x1;
	_ =	sdelay $0x2  }
0x19a: {  	s2 =	simm.s32 $0xFFFFFFFF;
	s3 =	simm.s32 $0xFFFFFFFF;
	s0 =	simm.s32 $0xC  }
.LBB2_30:
0x19b: {  	s4 =	smov.u32 s3;
	s5 =	smov.u32 s2  }
0x19c: {  	s2 =	sshra.s32 s0, $0x2;
	p1 =	sne.s32 s0, $0x7C;
	s0 =	sadd.s32 $0x4, s0;
	(v2sf) =	vpush v0, $0x0  }
0x19d: {  	v0 =	vld.msk [tilespmem:s2+$0xE418], $0x1  }
.Ltmp24:
0x19e: {  	(pc) =	sbr.rel @p1 .LBB2_30-.Ltmp24, $4  }
0x19f: {  	s3 =	spop (v2sf)  }
0x1a0: {  	p2 =	sne.s32 s5, $0xFFFFFFFF;
	s2 =	smov.u32 s3  }
0x1a1: {  	p3 =	seq.s32 s3, $0xFFFFFFFF;
	s2 =	smov.u32 @p2 s5  }
0x1a2: {  	s3 =	smov.u32 @p3 s4;
	s2 =	smov.u32 @p3 s5  }
0x1a3: {  	(v2sf) =	vpush v0, $0x0;
	_ =	sdelay $0x8  }
0x1a4: {  	s0 =	spop (v2sf)  }
0x1a5: {  	p1 =	sne.s32 s2, $0xFFFFFFFF;
	s9 =	simm.s32 $0x6;
	s4 =	smov.u32 s0  }
0x1a6: {  	s6 =	simm.s32 $0x0;
	p2 =	seq.s32 s0, $0xFFFFFFFF;
	s4 =	smov.u32 @p1 s2  }
0x1a7: {  	s10 =	simm.s32 $0xE308;
	s4 =	smov.u32 @p2 s2;
	s2 =	spop (v2sf)  }
0x1a8: {  	s0 =	smov.u32 @p2 s3;
	p1 =	sne.s32 s4, $0xFFFFFFFF;
	s5 =	smov.u32 s2  }
.Ltmp25:
0x1a9: {  	p2 =	seq.s32 s2, $0xFFFFFFFF;
	s5 =	smov.u32 @p1 s4;
	(pc) =	sbr.rel .LBB2_32-.Ltmp25, $4  }
0x1aa: {  	s11 =	simm.s32 $0xE388;
	s5 =	smov.u32 @p2 s4;
	s7 =	spop (v2sf)  }
0x1ab: {  	s12 =	simm.s32 $0x0;
	p1 =	sne.s32 s5, $0xFFFFFFFF;
	s8 =	smov.u32 s7  }
0x1ac: {  	s2 =	smov.u32 @p2 s0;
	p2 =	seq.s32 s7, $0xFFFFFFFF;
	s8 =	smov.u32 @p1 s5  }
0x1ad: {  	[sflag:s9] =	ssyncpa.u1 $0x0;
	s7 =	smov.u32 @p2 s2;
	s8 =	smov.u32 @p2 s5  }
.LBB2_38:
0x1ae: {  	p1 =	sgt.u32 s0, $0x4E170  }
0x1af: {  	p2 =	seq.s32 @!p1 s0, s8  }
0x1b0: {  	p1 =	por p1, p2  }
0x1b1: {  	p2 =	sne.s32 @!p1 s0, s7  }
0x1b2: {  	p1 =	por p1, !p2  }
0x1b3: {  	s0 =	sshll.u32 @p1 s12, $0xA  }
0x1b4: {  	s2 =	sand.u32 @!p1 $0x7FFF8, s0;
	s3 =	sand.u32 @!p1 $0x7, s0;
	s0 =	sadd.s32 @!p1 $0x80, s0  }
0x1b5: {  	s2 =	sadd.s32 @!p1 s1, s2;
	s0 =	sand.u32 @!p1 $0xFFFF8, s0  }
0x1b6: {  	[tilespmem:s10], [sflag:$0x6] =	stream.linear.gather @!p1 [hbm4b:s2+s3], $0x80, $0x38;
	[tilespmem:$0x1E678] =	vst v63  }
0x1b7: {  	s0 =	sadd.s32 @!p1 s1, s0  }
0x1b8: {  	[tilespmem:s11], [sflag:$0x6] =	stream.linear.gather @!p1 [hbm4b:s0+s3], $0x80, $0x38;
	[tilespmem:$0x1E678] =	vst v63  }
0x1b9: {  	_ =	swait.ge @!p1 [sflag:s9], $0x100  }
0x1ba: {  	[sflag:s9] =	ssyncset.done @!p1 $0x0  }
0x1bb: {  	[sflag:s9] =	ssyncadd.s32 @!p1 $0xFFFFFF00  }
0x1bc: {  	v1 =	vld @!p1 [tilespmem:$0xE308];
	_ =	sdelay $0x2  }
0x1bd: {  	s0 =	sshll.u32 @!p1 s12, $0xA  }
0x1be: {  	s2 =	sshrl.u32 @!p1 s0, $0x2  }
0x1bf: {  	[tilespmem:s2+$0xE438] =	vst.add.f32.msk @!p1 $0xffff, v1  }
0x1c0: {  	v1 =	vld @!p1 [tilespmem:$0xE318];
	_ =	sdelay $0x4  }
0x1c1: {  	[tilespmem:s2+$0xE448] =	vst.add.f32.msk @!p1 $0xffff, v1  }
0x1c2: {  	v1 =	vld @!p1 [tilespmem:$0xE328];
	_ =	sdelay $0x4  }
0x1c3: {  	[tilespmem:s2+$0xE458] =	vst.add.f32.msk @!p1 $0xffff, v1  }
0x1c4: {  	v1 =	vld @!p1 [tilespmem:$0xE338];
	_ =	sdelay $0x4  }
0x1c5: {  	[tilespmem:s2+$0xE468] =	vst.add.f32.msk @!p1 $0xffff, v1  }
0x1c6: {  	v1 =	vld @!p1 [tilespmem:$0xE348];
	_ =	sdelay $0x4  }
0x1c7: {  	[tilespmem:s2+$0xE478] =	vst.add.f32.msk @!p1 $0xffff, v1  }
0x1c8: {  	v1 =	vld @!p1 [tilespmem:$0xE358];
	_ =	sdelay $0x4  }
0x1c9: {  	[tilespmem:s2+$0xE488] =	vst.add.f32.msk @!p1 $0xffff, v1  }
0x1ca: {  	v1 =	vld @!p1 [tilespmem:$0xE368];
	_ =	sdelay $0x4  }
0x1cb: {  	[tilespmem:s2+$0xE498] =	vst.add.f32.msk @!p1 $0xffff, v1  }
0x1cc: {  	v1 =	vld @!p1 [tilespmem:$0xE378];
	_ =	sdelay $0x4  }
0x1cd: {  	[tilespmem:s2+$0xE4A8] =	vst.add.f32.msk @!p1 $0xffff, v1  }
0x1ce: {  	v1 =	vld @!p1 [tilespmem:$0xE388];
	_ =	sdelay $0x4  }
0x1cf: {  	[tilespmem:s2+$0xE4B8] =	vst.add.f32.msk @!p1 $0xffff, v1  }
0x1d0: {  	v1 =	vld @!p1 [tilespmem:$0xE398];
	_ =	sdelay $0x4  }
0x1d1: {  	[tilespmem:s2+$0xE4C8] =	vst.add.f32.msk @!p1 $0xffff, v1  }
0x1d2: {  	v1 =	vld @!p1 [tilespmem:$0xE3A8];
	_ =	sdelay $0x4  }
0x1d3: {  	[tilespmem:s2+$0xE4D8] =	vst.add.f32.msk @!p1 $0xffff, v1  }
0x1d4: {  	v1 =	vld @!p1 [tilespmem:$0xE3B8];
	_ =	sdelay $0x4  }
0x1d5: {  	[tilespmem:s2+$0xE4E8] =	vst.add.f32.msk @!p1 $0xffff, v1  }
0x1d6: {  	v1 =	vld @!p1 [tilespmem:$0xE3C8];
	_ =	sdelay $0x4  }
0x1d7: {  	[tilespmem:s2+$0xE4F8] =	vst.add.f32.msk @!p1 $0xffff, v1  }
0x1d8: {  	v1 =	vld @!p1 [tilespmem:$0xE3D8];
	_ =	sdelay $0x4  }
0x1d9: {  	[tilespmem:s2+$0xE508] =	vst.add.f32.msk @!p1 $0xffff, v1  }
0x1da: {  	v1 =	vld @!p1 [tilespmem:$0xE3E8];
	_ =	sdelay $0x4  }
0x1db: {  	[tilespmem:s2+$0xE518] =	vst.add.f32.msk @!p1 $0xffff, v1  }
0x1dc: {  	v1 =	vld @!p1 [tilespmem:$0xE3F8];
	_ =	sdelay $0x4  }
0x1dd: {  	[tilespmem:s2+$0xE528] =	vst.add.f32.msk @!p1 $0xffff, v1  }
0x1de: {  	s0 =	sshrl.u32 s0, $0x2;
	[tilespmem:s6+$0xE418] =	vst.msk $0x1, v0  }
0x1df: {  	v0 =	vld [tilespmem:s0+$0xE438];
	_ =	sdelay $0x2  }
0x1e0: {  	s31 =	sshll.u32 s6, $0xA  }
0x1e1: {  	s2 =	sshra.s32 s31, $0x2  }
0x1e2: {  	[tilespmem:s2+$0xE438] =	vst v0  }
0x1e3: {  	v0 =	vld [tilespmem:s0+$0xE448];
	_ =	sdelay $0x4  }
0x1e4: {  	[tilespmem:s2+$0xE448] =	vst v0  }
0x1e5: {  	v0 =	vld [tilespmem:s0+$0xE458];
	_ =	sdelay $0x4  }
0x1e6: {  	[tilespmem:s2+$0xE458] =	vst v0  }
0x1e7: {  	v0 =	vld [tilespmem:s0+$0xE468];
	_ =	sdelay $0x4  }
0x1e8: {  	[tilespmem:s2+$0xE468] =	vst v0  }
0x1e9: {  	v0 =	vld [tilespmem:s0+$0xE478];
	_ =	sdelay $0x4  }
0x1ea: {  	[tilespmem:s2+$0xE478] =	vst v0  }
0x1eb: {  	v0 =	vld [tilespmem:s0+$0xE488];
	_ =	sdelay $0x4  }
0x1ec: {  	[tilespmem:s2+$0xE488] =	vst v0  }
0x1ed: {  	v0 =	vld [tilespmem:s0+$0xE498];
	_ =	sdelay $0x4  }
0x1ee: {  	[tilespmem:s2+$0xE498] =	vst v0  }
0x1ef: {  	v0 =	vld [tilespmem:s0+$0xE4A8];
	_ =	sdelay $0x4  }
0x1f0: {  	[tilespmem:s2+$0xE4A8] =	vst v0  }
0x1f1: {  	v0 =	vld [tilespmem:s0+$0xE4B8];
	_ =	sdelay $0x4  }
0x1f2: {  	[tilespmem:s2+$0xE4B8] =	vst v0  }
0x1f3: {  	v0 =	vld [tilespmem:s0+$0xE4C8];
	_ =	sdelay $0x4  }
0x1f4: {  	[tilespmem:s2+$0xE4C8] =	vst v0  }
0x1f5: {  	v0 =	vld [tilespmem:s0+$0xE4D8];
	_ =	sdelay $0x4  }
0x1f6: {  	[tilespmem:s2+$0xE4D8] =	vst v0  }
0x1f7: {  	v0 =	vld [tilespmem:s0+$0xE4E8];
	_ =	sdelay $0x4  }
0x1f8: {  	[tilespmem:s2+$0xE4E8] =	vst v0  }
0x1f9: {  	v0 =	vld [tilespmem:s0+$0xE4F8];
	_ =	sdelay $0x4  }
0x1fa: {  	[tilespmem:s2+$0xE4F8] =	vst v0  }
0x1fb: {  	v0 =	vld [tilespmem:s0+$0xE508];
	_ =	sdelay $0x4  }
0x1fc: {  	[tilespmem:s2+$0xE508] =	vst v0  }
0x1fd: {  	v0 =	vld [tilespmem:s0+$0xE518];
	_ =	sdelay $0x4  }
0x1fe: {  	[tilespmem:s2+$0xE518] =	vst v0  }
0x1ff: {  	v0 =	vld [tilespmem:s0+$0xE528];
	_ =	sdelay $0x4  }
0x200: {  	s6 =	sadd.s32 $0x1, s6;
	[tilespmem:s2+$0xE528] =	vst v0  }
.LBB2_39:
0x201: {  	s12 =	sadd.s32 $0x1, s12  }
0x202: {  	p1 =	sne.s32 s12, $0x20  }
.Ltmp26:
0x203: {  	_ = 	snop;
	(pc) =	sbr.rel @!p1 .LBB2_40-.Ltmp26, $1  }
0x204: {  	_ =	sdelay $0x3  }
.LBB2_32:
0x205: {  	v0 =	vld.msk [tilespmem:s12+$0xE418], $0x1;
	_ =	sdelay $0x4  }
0x206: {  	(v2sf) =	vpush v0, $0x0;
	_ =	sdelay $0xe  }
0x207: {  	s0 =	spop (v2sf)  }
0x208: {  	p1 =	seq.s32 s0, $0xFFFFFFFF  }
.Ltmp27:
0x209: {  	_ = 	snop;
	(pc) =	sbr.rel @p1 .LBB2_39-.Ltmp27, $1  }
0x20a: {  	_ =	sdelay $0x3  }
0x20b: {  	p1 =	slt.s32 s6, $0x1  }
.Ltmp28:
0x20c: {  	_ = 	snop;
	(pc) =	sbr.rel @p1 .LBB2_38-.Ltmp28, $1  }
0x20d: {  	_ =	sdelay $0x3  }
0x20e: {  	s4 =	simm.s32 $0xE418;
	p1 =	por $0x0, $0x0  }
0x20f: {  	v1 =	vld.msk @!p1 [tilespmem:s4+$0x0], $0x1;
	_ =	sdelay $0x4  }
0x210: {  	(v2sf) =	vpush @!p1 v1, $0x0;
	_ =	sdelay $0xd  }
0x211: {  	p3 =	sne.s32 s6, $0x1  }
.Ltmp29:
0x212: {  	s2 =	spop @!p1 (v2sf);
	(pc) =	sbr.rel @!p3 .LBB2_36-.Ltmp29, $4  }
0x213: {  	p2 =	seq.s32 @!p1 s0, s2  }
0x214: {  	s5 =	simm.s32 $0x0;
	p2 =	por !p2, p1  }
0x215: {  	s2 =	simm.s32 $0xFFFFFFFF;
	s5 =	simm.s32 @p2 $0xFFFFFFFF  }
0x216: {  	s13 =	simm.s32 $0x1;
	s5 =	smov.u32 @p1 s2  }
.LBB2_35:
0x217: {  	s2 =	smov.u32 s5;
	p1 =	sne.s32 s5, $0xFFFFFFFF  }
0x218: {  	s4 =	sadd.s32 $0x1, s4;
	s5 =	smov.u32 s13;
	s13 =	sadd.s32 $0x1, s13  }
0x219: {  	p2 =	sne.s32 s6, s13;
	v1 =	vld.msk @!p1 [tilespmem:s4+$0x0], $0x1;
	_ =	sdelay $0x4  }
0x21a: {  	(v2sf) =	vpush @!p1 v1, $0x0;
	_ =	sdelay $0xe  }
.Ltmp30:
0x21b: {  	s3 =	spop @!p1 (v2sf);
	(pc) =	sbr.rel @p2 .LBB2_35-.Ltmp30, $4  }
0x21c: {  	p3 =	seq.s32 @!p1 s0, s3  }
0x21d: {  	p3 =	por !p3, p1  }
0x21e: {  	s5 =	simm.s32 @p3 $0xFFFFFFFF  }
0x21f: {  	s5 =	smov.u32 @p1 s2  }
.LBB2_36:
0x220: {  	p1 =	seq.s32 s5, $0xFFFFFFFF  }
.Ltmp31:
0x221: {  	_ = 	snop;
	(pc) =	sbr.rel @p1 .LBB2_38-.Ltmp31, $1  }
0x222: {  	_ =	sdelay $0x3  }
0x223: {  	s0 =	sshll.u32 s12, $0x8  }
0x224: {  	s0 =	sand.u32 $0x3FFFFF00, s0  }
0x225: {  	v0 =	vld [tilespmem:s0+$0xE438];
	_ =	sdelay $0x2  }
0x226: {  	s2 =	sshll.u32 s5, $0xA  }
0x227: {  	s2 =	sshra.s32 s2, $0x2  }
0x228: {  	[tilespmem:s2+$0xE438] =	vst.add.f32.msk $0xffff, v0  }
0x229: {  	v0 =	vld [tilespmem:s0+$0xE448];
	_ =	sdelay $0x4  }
0x22a: {  	[tilespmem:s2+$0xE448] =	vst.add.f32.msk $0xffff, v0  }
0x22b: {  	v0 =	vld [tilespmem:s0+$0xE458];
	_ =	sdelay $0x4  }
0x22c: {  	[tilespmem:s2+$0xE458] =	vst.add.f32.msk $0xffff, v0  }
0x22d: {  	v0 =	vld [tilespmem:s0+$0xE468];
	_ =	sdelay $0x4  }
0x22e: {  	[tilespmem:s2+$0xE468] =	vst.add.f32.msk $0xffff, v0  }
0x22f: {  	v0 =	vld [tilespmem:s0+$0xE478];
	_ =	sdelay $0x4  }
0x230: {  	[tilespmem:s2+$0xE478] =	vst.add.f32.msk $0xffff, v0  }
0x231: {  	v0 =	vld [tilespmem:s0+$0xE488];
	_ =	sdelay $0x4  }
0x232: {  	[tilespmem:s2+$0xE488] =	vst.add.f32.msk $0xffff, v0  }
0x233: {  	v0 =	vld [tilespmem:s0+$0xE498];
	_ =	sdelay $0x4  }
0x234: {  	[tilespmem:s2+$0xE498] =	vst.add.f32.msk $0xffff, v0  }
0x235: {  	v0 =	vld [tilespmem:s0+$0xE4A8];
	_ =	sdelay $0x4  }
0x236: {  	[tilespmem:s2+$0xE4A8] =	vst.add.f32.msk $0xffff, v0  }
0x237: {  	v0 =	vld [tilespmem:s0+$0xE4B8];
	_ =	sdelay $0x4  }
0x238: {  	[tilespmem:s2+$0xE4B8] =	vst.add.f32.msk $0xffff, v0  }
0x239: {  	v0 =	vld [tilespmem:s0+$0xE4C8];
	_ =	sdelay $0x4  }
0x23a: {  	[tilespmem:s2+$0xE4C8] =	vst.add.f32.msk $0xffff, v0  }
0x23b: {  	v0 =	vld [tilespmem:s0+$0xE4D8];
	_ =	sdelay $0x4  }
0x23c: {  	[tilespmem:s2+$0xE4D8] =	vst.add.f32.msk $0xffff, v0  }
0x23d: {  	v0 =	vld [tilespmem:s0+$0xE4E8];
	_ =	sdelay $0x4  }
0x23e: {  	[tilespmem:s2+$0xE4E8] =	vst.add.f32.msk $0xffff, v0  }
0x23f: {  	v0 =	vld [tilespmem:s0+$0xE4F8];
	_ =	sdelay $0x4  }
0x240: {  	[tilespmem:s2+$0xE4F8] =	vst.add.f32.msk $0xffff, v0  }
0x241: {  	v0 =	vld [tilespmem:s0+$0xE508];
	_ =	sdelay $0x4  }
0x242: {  	[tilespmem:s2+$0xE508] =	vst.add.f32.msk $0xffff, v0  }
0x243: {  	v0 =	vld [tilespmem:s0+$0xE518];
	_ =	sdelay $0x4  }
0x244: {  	[tilespmem:s2+$0xE518] =	vst.add.f32.msk $0xffff, v0  }
0x245: {  	v0 =	vld [tilespmem:s0+$0xE528]  }
.Ltmp32:
0x246: {  	_ = 	snop;
	(pc) =	sbr.rel .LBB2_39-.Ltmp32, $2  }
0x247: {  	_ =	sdelay $0x2  }
0x248: {  	[tilespmem:s2+$0xE528] =	vst.add.f32.msk $0xffff, v0  }
.LBB2_40:
0x249: {  	s0 =	simm.s32 $0x6;
	p1 =	seq.s32 s6, $0x0  }
0x24a: {  	[sflag:s0] =	ssyncpa.u1 $0x1;
	v0 =	vimm.s32 @p1 $0xFFFFFFFF  }
0x24b: {  	s0 =	sadd.s32 $0xFFFFFFFF, s6;
	[tilespmem:$0x10438] =	vst @p1 v0  }
0x24c: {  	v0 =	vld.msk @!p1 [tilespmem:s0+$0xE418], $0x1;
	_ =	sdelay $0x1  }
0x24d: {  	v1 =	vld.msk @!p1 [tilespmem:$0xE418], $0x1;
	_ =	sdelay $0x2  }
0x24e: {  	p2 =	seq.s32 @!p1 s0, $0x0;
	v0 =	vbroadcast @!p1 v0, $0x0  }
0x24f: {  	vm0 =	vmmov @!p1 $0x1;
	p2 =	por !p2, p1  }
0x250: {  	v1 =	vnsel @!p1 vm0, $0xFFFFFFFF, v1;
	vm0 =	vcmask @!p1 $0x308;
	v0 =	vpsel !p2, $0xFFFFFFFF, v0  }
0x251: {  	p2 =	sne.s32 @!p1 s8, s7;
	v0 =	vsel @!p1 vm0, v1, v0  }
0x252: {  	s2 =	simm.s32 @!p1 $0xE438;
	s3 =	simm.s32 @!p1 $0x0;
	p3 =	por !p2, p1;
	[tilespmem:$0x10438] =	vst @!p1 v0  }
0x253: {  	[spmem:s3] =	stream.linear.scatter @!p1 [tilespmem:s2], [sflag:$0x1], $0x100, $0x38;
	[tilespmem:$0x1E678] =	vst v63  }
0x254: {  	s2 =	sshll.u32 @!p3 s0, $0xA  }
0x255: {  	s2 =	sshra.s32 @!p3 s2, $0x2  }
0x256: {  	s3 =	simm.s32 @!p3 $0x100;
	s2 =	sadd.s32 @!p3 $0xE438, s2  }
0x257: {  	[spmem:s3] =	stream.linear.scatter @!p3 [tilespmem:s2], [sflag:$0x1], $0x100, $0x38;
	[tilespmem:$0x1E678] =	vst v63  }
0x258: {  	s2 =	simm.s32 @!p3 $0x1  }
0x259: {  	_ =	swait.ge @!p3 [sflag:s2], $0x200  }
0x25a: {  	p1 =	por p2, p1;
	[sflag:s2] =	ssyncset.done @!p3 $0x0  }
0x25b: {  	[sflag:s2] =	ssyncadd.s32 @!p3 $0xFFFFFE00;
	s2 =	simm.s32 @!p1 $0x1  }
0x25c: {  	_ =	swait.ge @!p1 [sflag:s2], $0x100  }
0x25d: {  	s29 =	simm.s32 $0x10438;
	[sflag:s2] =	ssyncset.done @!p1 $0x0  }
0x25e: {  	s30 =	simm.s32 $0x2000;
	s31 =	simm.s32 $0x1;
	[sflag:s2] =	ssyncadd.s32 @!p1 $0xFFFFFF00  }
0x25f: {  	[spmem:s30] =	stream.linear.scatter [tilespmem:s29], [sflag:$0x1], $0x10, $0x38;
	[tilespmem:$0x1E678] =	vst v63  }
0x260: {  	_ =	swait.ge [sflag:s31], $0x10  }
0x261: {  	[sflag:s31] =	ssyncset.done $0x0  }
0x262: {  	p1 =	seq.s32 s14, $0x0;
	s9 =	rddreg [dreg:$0x2];
	[sflag:s31] =	ssyncadd.s32 $0xFFFFFFF0  }
0x263: {  	s3 =	sshll.u32 @p1 s9, $0xE;
	s8 =	rddreg [dreg:$0x3]  }
0x264: {  	s2 =	sadd.s32 @p1 $0x15C3C, s3;
	s3 =	sshll.u32 @p1 s8, $0x11  }
0x265: {  	_ =	sfence.stream.spmem;
	s2 =	sor.u32 @p1 s3, s2  }
0x266: {  	[sflag:s2] =	ssyncadd.remote.s32 @p1 $0x1;
	s2 =	simm.s32 @p1 $0x4  }
0x267: {  	s4 =	simm.s32 @!p1 $0x3C;
	s3 =	sand.u32 $0xFFFFFFFE, s9;
	_ =	swait.ge @p1 [sflag:s2], $0x42  }
0x268: {  	s5 =	simm.s32 @!p1 $0x0;
	s3 =	sadd.s32 @!p1 $0x4, s3;
	[sflag:s2] =	ssyncset.done @p1 $0x0  }
0x269: {  	s7 =	simm.s32 @!p1 $0x200;
	[sflag:s2] =	ssyncadd.s32 @p1 $0xFFFFFFBE;
	s2 =	sshll.u32 @!p1 s3, $0x1A  }
0x26a: {  	s3 =	sshll.u32 @!p1 s3, $0xD;
	s2 =	sor.u32 @!p1 s2, s8;
	_ =	swait.eq @!p1 [sflag:s4], $0x1  }
0x26b: {  	s3 =	sor.u32 @!p1 $0x1C04, s3;
	s4 =	simm.s32 @!p1 $0x1C03;
	s2 =	sor.u32 @!p1 $0x80004000, s2  }
0x26c: {  	[spmem:s7], [sflag:s3] =	dma.general @!p1 [spmem:s5], [sflag:s4], length:$0x40, [dreg:$0x0], stride_count:$0x0, ici_dest:s2, dma_misc:DstOpCode:WRITE  }
0x26d: {  	p2 =	slt.s32 s0, $0x2;
	s5 =	simm.s32 @!p1 $0x400;
	s7 =	simm.s32 @!p1 $0x402  }
0x26e: {  	[spmem:s7], [sflag:s3] =	dma.general @!p1 [spmem:s5], [sflag:s4], length:$0x2, [dreg:$0x0], stride_count:$0x0, ici_dest:s2, dma_misc:DstOpCode:WRITE  }
.Ltmp33:
0x26f: {  	s2 =	simm.s32 @!p1 $0x3;
	(pc) =	sbr.rel @p2 .LBB2_44-.Ltmp33, $4  }
0x270: {  	s3 =	sshll.u32 @!p1 s9, $0xE;
	_ =	swait.ge @!p1 [sflag:s2], $0x42  }
0x271: {  	s4 =	sshll.u32 @!p1 s8, $0x11;
	s3 =	sadd.s32 @!p1 $0x11C3C, s3;
	[sflag:s2] =	ssyncset.done @!p1 $0x0  }
0x272: {  	[sflag:s2] =	ssyncadd.s32 @!p1 $0xFFFFFFBE;
	s2 =	sor.u32 @!p1 s4, s3  }
0x273: {  	s0 =	simm.s32 $0x0;
	[sflag:s2] =	ssyncadd.remote.s32 @!p1 $0xFFFFFFFF  }
0x274: {  	s0 =	simm.s32 $0xE419  }
0x275: {  	v0 =	vld.msk [tilespmem:s0+$0x0], $0x1;
	_ =	sdelay $0x4  }
0x276: {  	(v2sf) =	vpush v0, $0x0;
	_ =	sdelay $0xd  }
0x277: {  	s31 =	sadd.s32 $0xFFFFFFFE, s6  }
0x278: {  	s6 =	simm.s32 $0x0;
	s0 =	sadd.s32 $0xFFFFFFFF, s31;
	s2 =	spop (v2sf)  }
0x279: {  	s3 =	simm.s32 $0xE538;
	p1 =	sne.s32 s0, $0x0;
	p2 =	sgt.u32 s2, $0x4E170  }
.Ltmp34:
0x27a: {  	s4 =	simm.s32 $0xE638;
	s5 =	sand.u32 @!p2 $0x7FFF8, s2;
	(pc) =	sbr.rel @!p1 .LBB2_43-.Ltmp34, $4  }
0x27b: {  	s7 =	sadd.s32 @!p2 $0x80, s2;
	s2 =	sand.u32 @!p2 $0x7, s2;
	s6 =	simm.s32 @!p2 $0x400  }
0x27c: {  	s5 =	sadd.s32 @!p2 s1, s5;
	s7 =	sand.u32 @!p2 $0xFFFF8, s7;
	s6 =	sadd.s32 $0x0, s6  }
0x27d: {  	[hbm4b:s5+s2] =	stream.linear.scatter @!p2 [tilespmem:s3], [sflag:$0x5], $0x80, $0x38;
	[tilespmem:$0x1E678] =	vst v63  }
0x27e: {  	s5 =	simm.s32 $0xE41A;
	s3 =	simm.s32 @!p2 $0xE5B8;
	s7 =	sadd.s32 @!p2 s1, s7  }
.LBB2_42:
0x27f: {  	[hbm4b:s7+s2] =	stream.linear.scatter @!p2 [tilespmem:s3], [sflag:$0x5], $0x80, $0x38;
	[tilespmem:$0x1E678] =	vst v63  }
0x280: {  	s0 =	sadd.s32 $0xFFFFFFFF, s0;
	s3 =	smov.u32 s4;
	v0 =	vld.msk [tilespmem:s5+$0x0], $0x1  }
0x281: {  	p1 =	sne.s32 s0, $0x0;
	_ =	sdelay $0x3  }
0x282: {  	(v2sf) =	vpush v0, $0x0;
	_ =	sdelay $0xe  }
0x283: {  	s4 =	sadd.s32 $0x100, s4;
	s8 =	simm.s32 $0x0;
	s2 =	spop (v2sf)  }
.Ltmp35:
0x284: {  	s5 =	sadd.s32 $0x1, s5;
	p2 =	sgt.u32 s2, $0x4E170;
	(pc) =	sbr.rel @p1 .LBB2_42-.Ltmp35, $4  }
0x285: {  	s8 =	simm.s32 @!p2 $0x400;
	s7 =	sand.u32 @!p2 $0x7FFF8, s2;
	s9 =	sadd.s32 @!p2 $0x80, s2  }
0x286: {  	s2 =	sand.u32 @!p2 $0x7, s2;
	s7 =	sadd.s32 @!p2 s1, s7;
	s9 =	sand.u32 @!p2 $0xFFFF8, s9  }
0x287: {  	[hbm4b:s7+s2] =	stream.linear.scatter @!p2 [tilespmem:s3], [sflag:$0x5], $0x80, $0x38;
	[tilespmem:$0x1E678] =	vst v63  }
0x288: {  	s6 =	sadd.s32 s6, s8;
	s3 =	sadd.s32 @!p2 $0x80, s3;
	s7 =	sadd.s32 @!p2 s1, s9  }
.LBB2_43:
0x289: {  	[hbm4b:s7+s2] =	stream.linear.scatter @!p2 [tilespmem:s3], [sflag:$0x5], $0x80, $0x38;
	[tilespmem:$0x1E678] =	vst v63  }
0x28a: {  	s0 =	sshrl.u32 s6, $0x2  }
.LBB2_44:
0x28b: {  	s2 =	simm.s32 $0x5  }
0x28c: {  	_ =	swait.ge [sflag:s2], s0  }
0x28d: {  	s31 =	ssub.s32 $0x0, s0;
	[sflag:s2] =	ssyncset.done $0x0  }
0x28e: {  	[sflag:s2] =	ssyncadd.s32 s31  }
0x28f: {  	[sflag:s2] =	ssyncpa.u1 $0x1  }
.LBB2_45:
0x290: {  	s0 =	sor.u32 s14, s15  }
0x291: {  	p1 =	sne.s32 s0, $0x0  }
.Ltmp36:
0x292: {  	_ = 	snop;
	(pc) =	sbr.rel @p1 .LBB2_60-.Ltmp36, $3  }
0x293: {  	_ =	sdelay $0x1  }
0x294: {  	[bflag:$0x0] =	sbarrier.arrive $0xFFFF  }
0x295: {  	_ =	sfence  }
0x296: {  	s0 =	simm.s32 $0x7  }
0x297: {  	s2 =	simm.s32 $0x2000;
	s3 =	simm.s32 $0xE418;
	[sflag:s0] =	ssyncpa.u1 $0x0  }
0x298: {  	[tilespmem:s3], [sflag:$0x7] =	stream.linear.gather [spmem:s2], $0x20, $0x38;
	[tilespmem:$0x1E678] =	vst v63  }
0x299: {  	s30 =	simm.s32 $0xE438;
	s2 =	simm.s32 $0x0  }
0x29a: {  	[tilespmem:s30], [sflag:$0x7] =	stream.linear.gather [spmem:s2], $0x2000, $0x38;
	[tilespmem:$0x1E678] =	vst v63  }
.Ltmp37:
0x29b: {  	_ = 	snop;
	(pc) =	sbr.rel .LBB2_47-.Ltmp37, $4  }
0x29c: {  	_ =	swait.ge [sflag:s0], $0x2020  }
0x29d: {  	[sflag:s0] =	ssyncset.done $0x0  }
0x29e: {  	s31 =	simm.s32 $0x8;
	[sflag:s0] =	ssyncadd.s32 $0xFFFFDFE0  }
0x29f: {  	s3 =	simm.s32 $0x0;
	[sflag:s31] =	ssyncpa.u1 $0x0  }
.LBB2_53:
0x2a0: {  	p1 =	slt.u32 s0, $0x4E171  }
0x2a1: {  	s4 =	sand.u32 @p1 $0x7FFF8, s0;
	s5 =	sand.u32 @p1 $0x7, s0;
	s0 =	sadd.s32 @p1 $0x80, s0  }
0x2a2: {  	s6 =	simm.s32 @p1 $0xE308;
	s4 =	sadd.s32 @p1 s1, s4;
	s0 =	sand.u32 @p1 $0xFFFF8, s0  }
0x2a3: {  	[tilespmem:s6], [sflag:$0x8] =	stream.linear.gather @p1 [hbm4b:s4+s5], $0x80, $0x38;
	[tilespmem:$0x1E678] =	vst v63  }
0x2a4: {  	s0 =	sadd.s32 @p1 s1, s0;
	s4 =	simm.s32 @p1 $0xE388  }
0x2a5: {  	[tilespmem:s4], [sflag:$0x8] =	stream.linear.gather @p1 [hbm4b:s0+s5], $0x80, $0x38;
	[tilespmem:$0x1E678] =	vst v63  }
0x2a6: {  	s0 =	simm.s32 @p1 $0x8  }
0x2a7: {  	_ =	swait.ge @p1 [sflag:s0], $0x100  }
0x2a8: {  	[sflag:s0] =	ssyncset.done @p1 $0x0  }
0x2a9: {  	[sflag:s0] =	ssyncadd.s32 @p1 $0xFFFFFF00  }
0x2aa: {  	v1 =	vld @p1 [tilespmem:$0xE308];
	_ =	sdelay $0x2  }
0x2ab: {  	s0 =	sshll.u32 @p1 s3, $0xA  }
0x2ac: {  	s4 =	sshrl.u32 @p1 s0, $0x2  }
0x2ad: {  	[tilespmem:s4+$0xE438] =	vst.add.f32.msk @p1 $0xffff, v1  }
0x2ae: {  	v1 =	vld @p1 [tilespmem:$0xE318];
	_ =	sdelay $0x4  }
0x2af: {  	[tilespmem:s4+$0xE448] =	vst.add.f32.msk @p1 $0xffff, v1  }
0x2b0: {  	v1 =	vld @p1 [tilespmem:$0xE328];
	_ =	sdelay $0x4  }
0x2b1: {  	[tilespmem:s4+$0xE458] =	vst.add.f32.msk @p1 $0xffff, v1  }
0x2b2: {  	v1 =	vld @p1 [tilespmem:$0xE338];
	_ =	sdelay $0x4  }
0x2b3: {  	[tilespmem:s4+$0xE468] =	vst.add.f32.msk @p1 $0xffff, v1  }
0x2b4: {  	v1 =	vld @p1 [tilespmem:$0xE348];
	_ =	sdelay $0x4  }
0x2b5: {  	[tilespmem:s4+$0xE478] =	vst.add.f32.msk @p1 $0xffff, v1  }
0x2b6: {  	v1 =	vld @p1 [tilespmem:$0xE358];
	_ =	sdelay $0x4  }
0x2b7: {  	[tilespmem:s4+$0xE488] =	vst.add.f32.msk @p1 $0xffff, v1  }
0x2b8: {  	v1 =	vld @p1 [tilespmem:$0xE368];
	_ =	sdelay $0x4  }
0x2b9: {  	[tilespmem:s4+$0xE498] =	vst.add.f32.msk @p1 $0xffff, v1  }
0x2ba: {  	v1 =	vld @p1 [tilespmem:$0xE378];
	_ =	sdelay $0x4  }
0x2bb: {  	[tilespmem:s4+$0xE4A8] =	vst.add.f32.msk @p1 $0xffff, v1  }
0x2bc: {  	v1 =	vld @p1 [tilespmem:$0xE388];
	_ =	sdelay $0x4  }
0x2bd: {  	[tilespmem:s4+$0xE4B8] =	vst.add.f32.msk @p1 $0xffff, v1  }
0x2be: {  	v1 =	vld @p1 [tilespmem:$0xE398];
	_ =	sdelay $0x4  }
0x2bf: {  	[tilespmem:s4+$0xE4C8] =	vst.add.f32.msk @p1 $0xffff, v1  }
0x2c0: {  	v1 =	vld @p1 [tilespmem:$0xE3A8];
	_ =	sdelay $0x4  }
0x2c1: {  	[tilespmem:s4+$0xE4D8] =	vst.add.f32.msk @p1 $0xffff, v1  }
0x2c2: {  	v1 =	vld @p1 [tilespmem:$0xE3B8];
	_ =	sdelay $0x4  }
0x2c3: {  	[tilespmem:s4+$0xE4E8] =	vst.add.f32.msk @p1 $0xffff, v1  }
0x2c4: {  	v1 =	vld @p1 [tilespmem:$0xE3C8];
	_ =	sdelay $0x4  }
0x2c5: {  	[tilespmem:s4+$0xE4F8] =	vst.add.f32.msk @p1 $0xffff, v1  }
0x2c6: {  	v1 =	vld @p1 [tilespmem:$0xE3D8];
	_ =	sdelay $0x4  }
0x2c7: {  	[tilespmem:s4+$0xE508] =	vst.add.f32.msk @p1 $0xffff, v1  }
0x2c8: {  	v1 =	vld @p1 [tilespmem:$0xE3E8];
	_ =	sdelay $0x4  }
0x2c9: {  	[tilespmem:s4+$0xE518] =	vst.add.f32.msk @p1 $0xffff, v1  }
0x2ca: {  	v1 =	vld @p1 [tilespmem:$0xE3F8];
	_ =	sdelay $0x3  }
0x2cb: {  	s5 =	sshll.u32 @!p1 s3, $0xA  }
0x2cc: {  	s5 =	smov.u32 @p1 s0;
	[tilespmem:s4+$0xE528] =	vst.add.f32.msk @p1 $0xffff, v1  }
0x2cd: {  	s0 =	sshrl.u32 s5, $0x2;
	[tilespmem:s2+$0xE418] =	vst.msk $0x1, v0  }
0x2ce: {  	v0 =	vld [tilespmem:s0+$0xE438];
	_ =	sdelay $0x2  }
0x2cf: {  	s31 =	sshll.u32 s2, $0xA  }
0x2d0: {  	s4 =	sshra.s32 s31, $0x2  }
0x2d1: {  	[tilespmem:s4+$0xE438] =	vst v0  }
0x2d2: {  	v0 =	vld [tilespmem:s0+$0xE448];
	_ =	sdelay $0x4  }
0x2d3: {  	[tilespmem:s4+$0xE448] =	vst v0  }
0x2d4: {  	v0 =	vld [tilespmem:s0+$0xE458];
	_ =	sdelay $0x4  }
0x2d5: {  	[tilespmem:s4+$0xE458] =	vst v0  }
0x2d6: {  	v0 =	vld [tilespmem:s0+$0xE468];
	_ =	sdelay $0x4  }
0x2d7: {  	[tilespmem:s4+$0xE468] =	vst v0  }
0x2d8: {  	v0 =	vld [tilespmem:s0+$0xE478];
	_ =	sdelay $0x4  }
0x2d9: {  	[tilespmem:s4+$0xE478] =	vst v0  }
0x2da: {  	v0 =	vld [tilespmem:s0+$0xE488];
	_ =	sdelay $0x4  }
0x2db: {  	[tilespmem:s4+$0xE488] =	vst v0  }
0x2dc: {  	v0 =	vld [tilespmem:s0+$0xE498];
	_ =	sdelay $0x4  }
0x2dd: {  	[tilespmem:s4+$0xE498] =	vst v0  }
0x2de: {  	v0 =	vld [tilespmem:s0+$0xE4A8];
	_ =	sdelay $0x4  }
0x2df: {  	[tilespmem:s4+$0xE4A8] =	vst v0  }
0x2e0: {  	v0 =	vld [tilespmem:s0+$0xE4B8];
	_ =	sdelay $0x4  }
0x2e1: {  	[tilespmem:s4+$0xE4B8] =	vst v0  }
0x2e2: {  	v0 =	vld [tilespmem:s0+$0xE4C8];
	_ =	sdelay $0x4  }
0x2e3: {  	[tilespmem:s4+$0xE4C8] =	vst v0  }
0x2e4: {  	v0 =	vld [tilespmem:s0+$0xE4D8];
	_ =	sdelay $0x4  }
0x2e5: {  	[tilespmem:s4+$0xE4D8] =	vst v0  }
0x2e6: {  	v0 =	vld [tilespmem:s0+$0xE4E8];
	_ =	sdelay $0x4  }
0x2e7: {  	[tilespmem:s4+$0xE4E8] =	vst v0  }
0x2e8: {  	v0 =	vld [tilespmem:s0+$0xE4F8];
	_ =	sdelay $0x4  }
0x2e9: {  	[tilespmem:s4+$0xE4F8] =	vst v0  }
0x2ea: {  	v0 =	vld [tilespmem:s0+$0xE508];
	_ =	sdelay $0x4  }
0x2eb: {  	[tilespmem:s4+$0xE508] =	vst v0  }
0x2ec: {  	v0 =	vld [tilespmem:s0+$0xE518];
	_ =	sdelay $0x4  }
0x2ed: {  	[tilespmem:s4+$0xE518] =	vst v0  }
0x2ee: {  	v0 =	vld [tilespmem:s0+$0xE528];
	_ =	sdelay $0x4  }
0x2ef: {  	s2 =	sadd.s32 $0x1, s2;
	[tilespmem:s4+$0xE528] =	vst v0  }
.LBB2_54:
0x2f0: {  	s3 =	sadd.s32 $0x1, s3  }
0x2f1: {  	p1 =	sne.s32 s3, $0x20  }
.Ltmp38:
0x2f2: {  	_ = 	snop;
	(pc) =	sbr.rel @!p1 .LBB2_55-.Ltmp38, $1  }
0x2f3: {  	_ =	sdelay $0x3  }
.LBB2_47:
0x2f4: {  	v0 =	vld.msk [tilespmem:s3+$0xE418], $0x1;
	_ =	sdelay $0x4  }
0x2f5: {  	(v2sf) =	vpush v0, $0x0;
	_ =	sdelay $0xe  }
0x2f6: {  	s0 =	spop (v2sf)  }
0x2f7: {  	p1 =	seq.s32 s0, $0xFFFFFFFF  }
.Ltmp39:
0x2f8: {  	_ = 	snop;
	(pc) =	sbr.rel @p1 .LBB2_54-.Ltmp39, $1  }
0x2f9: {  	_ =	sdelay $0x3  }
0x2fa: {  	p1 =	slt.s32 s2, $0x1  }
.Ltmp40:
0x2fb: {  	_ = 	snop;
	(pc) =	sbr.rel @p1 .LBB2_53-.Ltmp40, $1  }
0x2fc: {  	_ =	sdelay $0x3  }
0x2fd: {  	s4 =	simm.s32 $0xE418;
	p1 =	por $0x0, $0x0  }
0x2fe: {  	v1 =	vld.msk @!p1 [tilespmem:s4+$0x0], $0x1;
	_ =	sdelay $0x4  }
0x2ff: {  	(v2sf) =	vpush @!p1 v1, $0x0;
	_ =	sdelay $0xd  }
0x300: {  	p3 =	sne.s32 s2, $0x1  }
.Ltmp41:
0x301: {  	s5 =	spop @!p1 (v2sf);
	(pc) =	sbr.rel @!p3 .LBB2_51-.Ltmp41, $4  }
0x302: {  	p2 =	seq.s32 @!p1 s0, s5  }
0x303: {  	s5 =	simm.s32 $0x0;
	p2 =	por !p2, p1  }
0x304: {  	s7 =	simm.s32 $0xFFFFFFFF;
	s5 =	simm.s32 @p2 $0xFFFFFFFF  }
0x305: {  	s6 =	simm.s32 $0x1;
	s5 =	smov.u32 @p1 s7  }
.LBB2_50:
0x306: {  	s7 =	smov.u32 s5;
	p1 =	sne.s32 s5, $0xFFFFFFFF  }
0x307: {  	s4 =	sadd.s32 $0x1, s4;
	s5 =	smov.u32 s6;
	s6 =	sadd.s32 $0x1, s6  }
0x308: {  	p2 =	sne.s32 s2, s6;
	v1 =	vld.msk @!p1 [tilespmem:s4+$0x0], $0x1;
	_ =	sdelay $0x4  }
0x309: {  	(v2sf) =	vpush @!p1 v1, $0x0;
	_ =	sdelay $0xe  }
.Ltmp42:
0x30a: {  	s8 =	spop @!p1 (v2sf);
	(pc) =	sbr.rel @p2 .LBB2_50-.Ltmp42, $4  }
0x30b: {  	p3 =	seq.s32 @!p1 s0, s8  }
0x30c: {  	p3 =	por !p3, p1  }
0x30d: {  	s5 =	simm.s32 @p3 $0xFFFFFFFF  }
0x30e: {  	s5 =	smov.u32 @p1 s7  }
.LBB2_51:
0x30f: {  	p1 =	seq.s32 s5, $0xFFFFFFFF  }
.Ltmp43:
0x310: {  	_ = 	snop;
	(pc) =	sbr.rel @p1 .LBB2_53-.Ltmp43, $1  }
0x311: {  	_ =	sdelay $0x3  }
0x312: {  	s0 =	sshll.u32 s3, $0x8  }
0x313: {  	s0 =	sand.u32 $0x3FFFFF00, s0  }
0x314: {  	v0 =	vld [tilespmem:s0+$0xE438];
	_ =	sdelay $0x2  }
0x315: {  	s4 =	sshll.u32 s5, $0xA  }
0x316: {  	s4 =	sshra.s32 s4, $0x2  }
0x317: {  	[tilespmem:s4+$0xE438] =	vst.add.f32.msk $0xffff, v0  }
0x318: {  	v0 =	vld [tilespmem:s0+$0xE448];
	_ =	sdelay $0x4  }
0x319: {  	[tilespmem:s4+$0xE448] =	vst.add.f32.msk $0xffff, v0  }
0x31a: {  	v0 =	vld [tilespmem:s0+$0xE458];
	_ =	sdelay $0x4  }
0x31b: {  	[tilespmem:s4+$0xE458] =	vst.add.f32.msk $0xffff, v0  }
0x31c: {  	v0 =	vld [tilespmem:s0+$0xE468];
	_ =	sdelay $0x4  }
0x31d: {  	[tilespmem:s4+$0xE468] =	vst.add.f32.msk $0xffff, v0  }
0x31e: {  	v0 =	vld [tilespmem:s0+$0xE478];
	_ =	sdelay $0x4  }
0x31f: {  	[tilespmem:s4+$0xE478] =	vst.add.f32.msk $0xffff, v0  }
0x320: {  	v0 =	vld [tilespmem:s0+$0xE488];
	_ =	sdelay $0x4  }
0x321: {  	[tilespmem:s4+$0xE488] =	vst.add.f32.msk $0xffff, v0  }
0x322: {  	v0 =	vld [tilespmem:s0+$0xE498];
	_ =	sdelay $0x4  }
0x323: {  	[tilespmem:s4+$0xE498] =	vst.add.f32.msk $0xffff, v0  }
0x324: {  	v0 =	vld [tilespmem:s0+$0xE4A8];
	_ =	sdelay $0x4  }
0x325: {  	[tilespmem:s4+$0xE4A8] =	vst.add.f32.msk $0xffff, v0  }
0x326: {  	v0 =	vld [tilespmem:s0+$0xE4B8];
	_ =	sdelay $0x4  }
0x327: {  	[tilespmem:s4+$0xE4B8] =	vst.add.f32.msk $0xffff, v0  }
0x328: {  	v0 =	vld [tilespmem:s0+$0xE4C8];
	_ =	sdelay $0x4  }
0x329: {  	[tilespmem:s4+$0xE4C8] =	vst.add.f32.msk $0xffff, v0  }
0x32a: {  	v0 =	vld [tilespmem:s0+$0xE4D8];
	_ =	sdelay $0x4  }
0x32b: {  	[tilespmem:s4+$0xE4D8] =	vst.add.f32.msk $0xffff, v0  }
0x32c: {  	v0 =	vld [tilespmem:s0+$0xE4E8];
	_ =	sdelay $0x4  }
0x32d: {  	[tilespmem:s4+$0xE4E8] =	vst.add.f32.msk $0xffff, v0  }
0x32e: {  	v0 =	vld [tilespmem:s0+$0xE4F8];
	_ =	sdelay $0x4  }
0x32f: {  	[tilespmem:s4+$0xE4F8] =	vst.add.f32.msk $0xffff, v0  }
0x330: {  	v0 =	vld [tilespmem:s0+$0xE508];
	_ =	sdelay $0x4  }
0x331: {  	[tilespmem:s4+$0xE508] =	vst.add.f32.msk $0xffff, v0  }
0x332: {  	v0 =	vld [tilespmem:s0+$0xE518];
	_ =	sdelay $0x4  }
0x333: {  	[tilespmem:s4+$0xE518] =	vst.add.f32.msk $0xffff, v0  }
0x334: {  	v0 =	vld [tilespmem:s0+$0xE528]  }
.Ltmp44:
0x335: {  	_ = 	snop;
	(pc) =	sbr.rel .LBB2_54-.Ltmp44, $2  }
0x336: {  	_ =	sdelay $0x2  }
0x337: {  	[tilespmem:s4+$0xE528] =	vst.add.f32.msk $0xffff, v0  }
.LBB2_55:
0x338: {  	p1 =	slt.s32 s2, $0x1  }
.Ltmp45:
0x339: {  	_ = 	snop;
	(pc) =	sbr.rel @p1 .LBB2_59-.Ltmp45, $3  }
0x33a: {  	_ =	sdelay $0x1  }
0x33b: {  	s0 =	simm.s32 $0x8  }
0x33c: {  	s4 =	simm.s32 $0x0;
	[sflag:s0] =	ssyncpa.u1 $0x1  }
0x33d: {  	s0 =	simm.s32 $0xE418  }
0x33e: {  	v0 =	vld.msk [tilespmem:s0+$0x0], $0x1;
	_ =	sdelay $0x4  }
0x33f: {  	(v2sf) =	vpush v0, $0x0;
	_ =	sdelay $0xe  }
0x340: {  	s0 =	sadd.s32 $0xFFFFFFFF, s2;
	s3 =	spop (v2sf)  }
0x341: {  	s6 =	simm.s32 $0xE438;
	p1 =	sne.s32 s0, $0x0;
	p2 =	sgt.u32 s3, $0x4E170  }
.Ltmp46:
0x342: {  	s2 =	simm.s32 $0xE538;
	s5 =	sand.u32 @!p2 $0x7FFF8, s3;
	(pc) =	sbr.rel @!p1 .LBB2_58-.Ltmp46, $4  }
0x343: {  	s7 =	sadd.s32 @!p2 $0x80, s3;
	s4 =	simm.s32 @!p2 $0x400;
	s8 =	sadd.s32 @!p2 s1, s5  }
0x344: {  	s5 =	sand.u32 @!p2 $0x7, s3;
	s3 =	simm.s32 $0xE419;
	s7 =	sand.u32 @!p2 $0xFFFF8, s7  }
0x345: {  	[hbm4b:s8+s5] =	stream.linear.scatter @!p2 [tilespmem:s6], [sflag:$0x7], $0x80, $0x38;
	[tilespmem:$0x1E678] =	vst v63  }
0x346: {  	s4 =	sadd.s32 $0x0, s4;
	s6 =	simm.s32 @!p2 $0xE4B8;
	s7 =	sadd.s32 @!p2 s1, s7  }
.LBB2_57:
0x347: {  	[hbm4b:s7+s5] =	stream.linear.scatter @!p2 [tilespmem:s6], [sflag:$0x7], $0x80, $0x38;
	[tilespmem:$0x1E678] =	vst v63  }
0x348: {  	s0 =	sadd.s32 $0xFFFFFFFF, s0;
	s6 =	smov.u32 s2;
	v0 =	vld.msk [tilespmem:s3+$0x0], $0x1  }
0x349: {  	p1 =	sne.s32 s0, $0x0;
	_ =	sdelay $0x3  }
0x34a: {  	(v2sf) =	vpush v0, $0x0;
	_ =	sdelay $0xe  }
0x34b: {  	s2 =	sadd.s32 $0x100, s2;
	s8 =	simm.s32 $0x0;
	s5 =	spop (v2sf)  }
.Ltmp47:
0x34c: {  	s3 =	sadd.s32 $0x1, s3;
	p2 =	sgt.u32 s5, $0x4E170;
	(pc) =	sbr.rel @p1 .LBB2_57-.Ltmp47, $4  }
0x34d: {  	s8 =	simm.s32 @!p2 $0x400;
	s7 =	sand.u32 @!p2 $0x7FFF8, s5;
	s9 =	sadd.s32 @!p2 $0x80, s5  }
0x34e: {  	s5 =	sand.u32 @!p2 $0x7, s5;
	s7 =	sadd.s32 @!p2 s1, s7;
	s9 =	sand.u32 @!p2 $0xFFFF8, s9  }
0x34f: {  	[hbm4b:s7+s5] =	stream.linear.scatter @!p2 [tilespmem:s6], [sflag:$0x7], $0x80, $0x38;
	[tilespmem:$0x1E678] =	vst v63  }
0x350: {  	s4 =	sadd.s32 s4, s8;
	s6 =	sadd.s32 @!p2 $0x80, s6;
	s7 =	sadd.s32 @!p2 s1, s9  }
.LBB2_58:
0x351: {  	[hbm4b:s7+s5] =	stream.linear.scatter @!p2 [tilespmem:s6], [sflag:$0x7], $0x80, $0x38;
	[tilespmem:$0x1E678] =	vst v63  }
0x352: {  	s4 =	sshrl.u32 s4, $0x2  }
.LBB2_59:
0x353: {  	s0 =	simm.s32 $0x7  }
0x354: {  	_ =	swait.ge [sflag:s0], s4  }
0x355: {  	s1 =	ssub.s32 $0x0, s4;
	[sflag:s0] =	ssyncset.done $0x0  }
0x356: {  	[sflag:s0] =	ssyncadd.s32 s1  }
0x357: {  	[sflag:s0] =	ssyncpa.u1 $0x1  }
.LBB2_60:
0x358: {  	_ =	sfence;
	s0 =	simm.s32 $0x1  }
0x359: {  	[sflag:s0] =	ssyncpa.u1 $0x1  }
0x35a: {  	_ =	strace $0x90000047  }
0x35b: {  	[bflag:$0x2] =	sbarrier.arrive $0xFFFF  }
0x35c: {  	s0 =	rddreg [dreg:$0x4]  }
0x35d: {  	s0 =	sadd.s32 @!p0 $0x100000, s0  }
0x35e: {  	[sflag:s0] =	ssyncadd.tile.s32 @!p0 $0x1;
	_ =	shalt  }
.Lfunc_end2:
_tile_overlayer_lowered:
.L_overlay_start_2:
0x35f: {  	(tag) =	ssettag $0x2  }
0x360: {  	s0 =	rddreg [dreg:$0x0];
	s2 =	stileid.u32  }
0x361: {  	s1 =	rddreg [dreg:$0x1];
	p0 =	sne.s32 s2, $0x0  }
0x362: {  	s3 =	rddreg [dreg:$0x2];
	[bflag:$0x3] =	sbarrier.arrive $0xFFFF;
	s2 =	simm.s32 @!p0 $0x1C01  }
0x363: {  	[timem:s3], [sflag:s2] =	dma.local @!p0 [hbm:s0], s1  }
0x364: {  	s0 =	simm.s32 @!p0 $0x1  }
0x365: {  	_ =	swait.ge @!p0 [sflag:s0], s1  }
0x366: {  	s1 =	ssub.s32 @!p0 $0x0, s1;
	[sflag:s0] =	ssyncset.done @!p0 $0x0  }
0x367: {  	[sflag:s0] =	ssyncadd.s32 @!p0 s1  }
0x368: {  	[bflag:$0x3] =	sbarrier.arrive $0xFFFF  }
0x369: {  	_ =	shalt  }

</sc_bundles>
